<compile_context>
chip_gen: v7x
topology: tpu7x:2x2x1
jax: 0.10.2.dev20260603
libtpu: 0.0.44.dev20260713+nightly
codegen_flags: <defaults>
</compile_context>

<pallas_src>
import functools

import jax
import jax.numpy as jnp
from jax import lax
from jax.experimental import pallas as pl
from jax.experimental.pallas import tpu as pltpu
from jax.experimental.pallas import tpu_sc as plsc

D = 32
CH = 128
L = 16


def _build_sc_kernel(n_pad, n_workers, per_w):
    nchunk = per_w // CH
    mesh = plsc.VectorSubcoreMesh(core_axis_name="c", subcore_axis_name="s")

    @functools.partial(
        pl.kernel,
        out_type=jax.ShapeDtypeStruct((n_pad,), jnp.float32),
        mesh=mesh,
        compiler_params=pltpu.CompilerParams(
            needs_layout_passes=False, use_tc_tiling_on_sc=False),
        scratch_types=[
            pltpu.VMEM((CH,), jnp.int32),
            pltpu.VMEM((CH,), jnp.int32),
            pltpu.VMEM((CH,), jnp.int32),
            pltpu.VMEM((CH, D), jnp.float32),
            pltpu.VMEM((CH, D), jnp.float32),
            pltpu.VMEM((CH,), jnp.float32),
            pltpu.SemaphoreType.DMA,
            pltpu.SemaphoreType.DMA,
        ],
    )
    def sc_kernel(row_hbm, col_hbm, drug_hbm, dis_hbm, idx_hbm, out_hbm,
                  idx_v, row_v, col_v, d_v, s_v, out_v, sem1, sem2):
        n_cores = 2
        wid = lax.axis_index("s") * n_cores + lax.axis_index("c")
        base = wid * per_w
        lanes = lax.iota(jnp.int32, L)

        def chunk_body(ci, carry):
            off = base + ci * CH
            pltpu.sync_copy(idx_hbm.at[pl.ds(off, CH)], idx_v)
            cr = pltpu.async_copy(row_hbm.at[idx_v], row_v, sem1)
            cc = pltpu.async_copy(col_hbm.at[idx_v], col_v, sem2)
            cr.wait()
            cc.wait()

            cd = pltpu.async_copy(drug_hbm.at[row_v], d_v, sem1)
            cs = pltpu.async_copy(dis_hbm.at[col_v], s_v, sem2)
            cd.wait()
            cs.wait()

            def dot_body(g, c):
                r16 = g * L + lanes
                acc = jnp.zeros((L,), jnp.float32)
                for j in range(D):
                    jv = jnp.full((L,), j, jnp.int32)
                    acc = acc + (plsc.load_gather(d_v, [r16, jv]) *
                                 plsc.load_gather(s_v, [r16, jv]))
                out_v[pl.ds(g * L, L)] = 1.0 / (1.0 + jnp.exp(-acc))
                return c

            lax.fori_loop(0, CH // L, dot_body, 0)
            pltpu.sync_copy(out_v, out_hbm.at[pl.ds(off, CH)])
            return carry

        lax.fori_loop(0, nchunk, chunk_body, 0)

    return sc_kernel


def kernel(drug_emb, dis_emb, r_d_edge, train_index, train):
    n = train_index.shape[0]
    n_workers = 32
    nchunk = -(-n // (n_workers * CH))
    per_w = nchunk * CH
    n_pad = n_workers * per_w

    edge32 = r_d_edge.astype(jnp.int32)
    row_arr = edge32[0]
    col_arr = edge32[1]
    idx = train_index.astype(jnp.int32)
    idx_p = jnp.concatenate([idx, jnp.zeros((n_pad - n,), jnp.int32)])

    sc = _build_sc_kernel(n_pad, n_workers, per_w)
    out = sc(row_arr, col_arr, drug_emb, dis_emb, idx_p)
    return out[:n]

# --- scband reference (transcript-rebuilt; emitter-appended) ---
"""Pipeline reference for scband-model-87402584474125 (READ-ONLY COPY).

The authoritative reference and input builder live on the scoring server;
editing this copy changes nothing except your own understanding.
"""

import jax, jax.numpy as jnp
import numpy as np

DRUG_NUM = 100000
DIS_NUM = 100000
EMBED_DIM = 32
N_EDGES = 1600000
N_TRAIN = 800000


def setup_inputs(seed: int = 0) -> dict:
    key = jax.random.key(seed)
    k1, k2, k3, k4, k5 = jax.random.split(key, 5)
    # Learned embedding tables produced by the Encoder (drug_num x d, dis_num x d)
    drug_emb = jax.random.normal(k1, (DRUG_NUM, EMBED_DIM), dtype=jnp.float32) * 0.1
    dis_emb = jax.random.normal(k2, (DIS_NUM, EMBED_DIM), dtype=jnp.float32) * 0.1
    # data.r_d_edge: [2, E] drug-disease association edges
    row = jax.random.randint(k3, (N_EDGES,), 0, DRUG_NUM, dtype=jnp.int64)
    col = jax.random.randint(k4, (N_EDGES,), 0, DIS_NUM, dtype=jnp.int64)
    r_d_edge = jnp.stack([row, col], axis=0)
    # data.train_index: subset of edge positions used during training
    train_index = jax.random.randint(k5, (N_TRAIN,), 0, N_EDGES, dtype=jnp.int64)
    return {
        "drug_emb": drug_emb,
        "dis_emb": dis_emb,
        "r_d_edge": r_d_edge,
        "train_index": train_index,
        "train": 1,
    }


def reference(drug_emb, dis_emb, r_d_edge, train_index, train):
    # Encoder output = embedding tables (drug, dis)
    idx = jnp.where(train != 0, train_index, train_index)  # test_index path; same gather structure
    row = r_d_edge[0][idx]
    col = r_d_edge[1][idx]
    # Decoder: bilinear (inner-product) scoring of gathered drug/disease rows
    d = jnp.take(drug_emb, row, axis=0)
    s = jnp.take(dis_emb, col, axis=0)
    prob = jax.nn.sigmoid(jnp.sum(d * s, axis=1))
    return prob

if __name__ == "__main__":
    import jax
    _d = setup_inputs()
    print(jax.jit(kernel)(*tuple(_d.values())))

</pallas_src>

<mosaic_0001>
#map = affine_map<(d0, d1) -> (0)>
#map1 = affine_map<(d0, d1) -> (0, 0)>
module attributes {stable_mosaic.version = 14 : i64} {
  func.func @sc_kernel(%arg0: i32, %arg1: i32, %arg2: memref<1600000xi32, #tpu.memory_space<hbm>>, %arg3: memref<1600000xi32, #tpu.memory_space<hbm>>, %arg4: memref<100000x32xf32, #tpu.memory_space<hbm>>, %arg5: memref<100000x32xf32, #tpu.memory_space<hbm>>, %arg6: memref<802816xi32, #tpu.memory_space<hbm>>, %arg7: memref<802816xf32, #tpu.memory_space<hbm>>, %arg8: memref<128xi32, #tpu.memory_space<vmem>>, %arg9: memref<128xi32, #tpu.memory_space<vmem>>, %arg10: memref<128xi32, #tpu.memory_space<vmem>>, %arg11: memref<128x32xf32, #tpu.memory_space<vmem>>, %arg12: memref<128x32xf32, #tpu.memory_space<vmem>>, %arg13: memref<128xf32, #tpu.memory_space<vmem>>, %arg14: memref<!tpu.dma_semaphore, #tpu.memory_space<semaphore_mem>>, %arg15: memref<!tpu.dma_semaphore, #tpu.memory_space<semaphore_mem>>) attributes {dimension_semantics = [#tpu.dimension_semantics<core_parallel>, #tpu.dimension_semantics<subcore_parallel>], iteration_bounds = array<i64: 2, 16>, scalar_prefetch = 0 : i64, scratch_operands = 8 : i64, tpu.core_type = #tpu.core_type<sc_vector_subcore>, window_params = [{transform_indices = #map}, {transform_indices = #map}, {transform_indices = #map1}, {transform_indices = #map1}, {transform_indices = #map}, {transform_indices = #map}]} {
    %mul3A = arith.constant 2 : i32
    %mul3A_0 = arith.muli %arg1, %mul3A : i32
    %add3A = arith.addi %mul3A_0, %arg0 : i32
    %mul3A_1 = arith.constant 25088 : i32
    %mul3A_2 = arith.muli %add3A, %mul3A_1 : i32
    %iota3A = tpu.iota {dimensions = array<i32: 0>} : vector<16xi32>
    %scan3A = arith.constant 0 : i32
    %scan3A_3 = arith.constant 0 : i32
    %scan3A_4 = arith.constant 196 : i32
    %scan3A_5 = arith.addi %scan3A_3, %scan3A_4 : i32
    %scan3A_6 = arith.constant 1 : i32
    scf.for %scan3A_8 = %scan3A_3 to %scan3A_5 step %scan3A_6  : i32 {
      %mul3A_9 = arith.constant 128 : i32
      %mul3A_10 = arith.muli %scan3A_8, %mul3A_9 : i32
      %add3A_11 = arith.addi %mul3A_2, %mul3A_10 : i32
      "tpu.region"() ({
        %run_scoped3A = tpu.sem_alloc : memref<!tpu.dma_semaphore, #tpu.memory_space<semaphore_mem>>
        %dma_start3A_36 = tpu.memref_slice %arg6[%add3A_11] : memref<802816xi32, #tpu.memory_space<hbm>> -> memref<128xi32, #tpu.memory_space<hbm>>
        %dma_start3A_37 = tpu.memref_slice %arg6[%add3A_11] : memref<802816xi32, #tpu.memory_space<hbm>> -> memref<128xi32, #tpu.memory_space<hbm>>
        tpu.enqueue_dma source(%dma_start3A_37 : memref<128xi32, #tpu.memory_space<hbm>>) target(%arg8 : memref<128xi32, #tpu.memory_space<vmem>>) target_semaphore(%run_scoped3A : memref<!tpu.dma_semaphore, #tpu.memory_space<semaphore_mem>>)
        %dma_wait3A_38 = tpu.memref_slice %arg6[%add3A_11] : memref<802816xi32, #tpu.memory_space<hbm>> -> memref<128xi32, #tpu.memory_space<hbm>>
        %dma_wait3A_39 = tpu.memref_slice %arg6[%add3A_11] : memref<802816xi32, #tpu.memory_space<hbm>> -> memref<128xi32, #tpu.memory_space<hbm>>
        tpu.wait_dma2 semaphore(%run_scoped3A : memref<!tpu.dma_semaphore, #tpu.memory_space<semaphore_mem>>) src(%dma_wait3A_39 : memref<128xi32, #tpu.memory_space<hbm>>) dst(%arg8 : memref<128xi32, #tpu.memory_space<vmem>>)
        tpu.yield
      }) : () -> ()
      %dma_start3A = arith.constant 0 : i32
      %dma_start3A_12 = tpu.memref_slice %arg2[%dma_start3A] : memref<1600000xi32, #tpu.memory_space<hbm>> -> memref<1600000xi32, #tpu.memory_space<hbm>>
      tpu.enqueue_indirect_dma source(%dma_start3A_12 : memref<1600000xi32, #tpu.memory_space<hbm>>) target(%arg9 : memref<128xi32, #tpu.memory_space<vmem>>) offsets(%arg8 : memref<128xi32, #tpu.memory_space<vmem>>) semaphore(%arg14 : memref<!tpu.dma_semaphore, #tpu.memory_space<semaphore_mem>>)
      %dma_start3A_13 = arith.constant 0 : i32
      %dma_start3A_14 = tpu.memref_slice %arg3[%dma_start3A_13] : memref<1600000xi32, #tpu.memory_space<hbm>> -> memref<1600000xi32, #tpu.memory_space<hbm>>
      tpu.enqueue_indirect_dma source(%dma_start3A_14 : memref<1600000xi32, #tpu.memory_space<hbm>>) target(%arg10 : memref<128xi32, #tpu.memory_space<vmem>>) offsets(%arg8 : memref<128xi32, #tpu.memory_space<vmem>>) semaphore(%arg15 : memref<!tpu.dma_semaphore, #tpu.memory_space<semaphore_mem>>)
      %dma_wait3A = arith.constant 0 : i32
      %dma_wait3A_15 = tpu.memref_slice %arg2[%dma_wait3A] : memref<1600000xi32, #tpu.memory_space<hbm>> -> memref<1600000xi32, #tpu.memory_space<hbm>>
      tpu.wait_indirect_dma semaphore(%arg14 : memref<!tpu.dma_semaphore, #tpu.memory_space<semaphore_mem>>) src(%dma_wait3A_15 : memref<1600000xi32, #tpu.memory_space<hbm>>) dst(%arg9 : memref<128xi32, #tpu.memory_space<vmem>>)
      %dma_wait3A_16 = arith.constant 0 : i32
      %dma_wait3A_17 = tpu.memref_slice %arg3[%dma_wait3A_16] : memref<1600000xi32, #tpu.memory_space<hbm>> -> memref<1600000xi32, #tpu.memory_space<hbm>>
      tpu.wait_indirect_dma semaphore(%arg15 : memref<!tpu.dma_semaphore, #tpu.memory_space<semaphore_mem>>) src(%dma_wait3A_17 : memref<1600000xi32, #tpu.memory_space<hbm>>) dst(%arg10 : memref<128xi32, #tpu.memory_space<vmem>>)
      %dma_start3A_18 = arith.constant 0 : i32
      %dma_start3A_19 = arith.constant 0 : i32
      %dma_start3A_20 = tpu.memref_slice %arg4[%dma_start3A_18, %dma_start3A_19] : memref<100000x32xf32, #tpu.memory_space<hbm>> -> memref<100000x32xf32, #tpu.memory_space<hbm>>
      tpu.enqueue_indirect_dma source(%dma_start3A_20 : memref<100000x32xf32, #tpu.memory_space<hbm>>) target(%arg11 : memref<128x32xf32, #tpu.memory_space<vmem>>) offsets(%arg9 : memref<128xi32, #tpu.memory_space<vmem>>) semaphore(%arg14 : memref<!tpu.dma_semaphore, #tpu.memory_space<semaphore_mem>>)
      %dma_start3A_21 = arith.constant 0 : i32
      %dma_start3A_22 = arith.constant 0 : i32
      %dma_start3A_23 = tpu.memref_slice %arg5[%dma_start3A_21, %dma_start3A_22] : memref<100000x32xf32, #tpu.memory_space<hbm>> -> memref<100000x32xf32, #tpu.memory_space<hbm>>
      tpu.enqueue_indirect_dma source(%dma_start3A_23 : memref<100000x32xf32, #tpu.memory_space<hbm>>) target(%arg12 : memref<128x32xf32, #tpu.memory_space<vmem>>) offsets(%arg10 : memref<128xi32, #tpu.memory_space<vmem>>) semaphore(%arg15 : memref<!tpu.dma_semaphore, #tpu.memory_space<semaphore_mem>>)
      %dma_wait3A_24 = arith.constant 0 : i32
      %dma_wait3A_25 = arith.constant 0 : i32
      %dma_wait3A_26 = tpu.memref_slice %arg4[%dma_wait3A_24, %dma_wait3A_25] : memref<100000x32xf32, #tpu.memory_space<hbm>> -> memref<100000x32xf32, #tpu.memory_space<hbm>>
      tpu.wait_indirect_dma semaphore(%arg14 : memref<!tpu.dma_semaphore, #tpu.memory_space<semaphore_mem>>) src(%dma_wait3A_26 : memref<100000x32xf32, #tpu.memory_space<hbm>>) dst(%arg11 : memref<128x32xf32, #tpu.memory_space<vmem>>)
      %dma_wait3A_27 = arith.constant 0 : i32
      %dma_wait3A_28 = arith.constant 0 : i32
      %dma_wait3A_29 = tpu.memref_slice %arg5[%dma_wait3A_27, %dma_wait3A_28] : memref<100000x32xf32, #tpu.memory_space<hbm>> -> memref<100000x32xf32, #tpu.memory_space<hbm>>
      tpu.wait_indirect_dma semaphore(%arg15 : memref<!tpu.dma_semaphore, #tpu.memory_space<semaphore_mem>>) src(%dma_wait3A_29 : memref<100000x32xf32, #tpu.memory_space<hbm>>) dst(%arg12 : memref<128x32xf32, #tpu.memory_space<vmem>>)
      %scan3A_30 = arith.constant 0 : i32
      %scan3A_31 = arith.constant 0 : i32
      %scan3A_32 = arith.constant 8 : i32
      %scan3A_33 = arith.addi %scan3A_31, %scan3A_32 : i32
      %scan3A_34 = arith.constant 1 : i32
      scf.for %scan3A_36 = %scan3A_31 to %scan3A_33 step %scan3A_34  : i32 {
        %mul3A_37 = arith.constant 16 : i32
        %mul3A_38 = arith.muli %scan3A_36, %mul3A_37 : i32
        %add3A_39 = vector.broadcast %mul3A_38 : i32 to vector<16xi32>
        %add3A_40 = arith.addi %add3A_39, %iota3A : vector<16xi32>
        %broadcast_in_dim3A = arith.constant 0.000000e+00 : f32
        %broadcast_in_dim3A_41 = vector.broadcast %broadcast_in_dim3A : f32 to vector<16xf32>
        %broadcast_in_dim3A_42 = arith.constant 0 : i32
        %broadcast_in_dim3A_43 = vector.broadcast %broadcast_in_dim3A_42 : i32 to vector<16xi32>
        %gather3A = tpu.vector_load_idx %arg11[%add3A_40, %broadcast_in_dim3A_43] : memref<128x32xf32, #tpu.memory_space<vmem>>[vector<16xi32>, vector<16xi32>], vector<16xf32>,
        %gather3A_44 = tpu.vector_load_idx %arg12[%add3A_40, %broadcast_in_dim3A_43] : memref<128x32xf32, #tpu.memory_space<vmem>>[vector<16xi32>, vector<16xi32>], vector<16xf32>,
        %mul3A_45 = arith.mulf %gather3A, %gather3A_44 : vector<16xf32>
        %add3A_46 = arith.addf %broadcast_in_dim3A_41, %mul3A_45 : vector<16xf32>
        %broadcast_in_dim3A_47 = arith.constant 1 : i32
        %broadcast_in_dim3A_48 = vector.broadcast %broadcast_in_dim3A_47 : i32 to vector<16xi32>
        %gather3A_49 = tpu.vector_load_idx %arg11[%add3A_40, %broadcast_in_dim3A_48] : memref<128x32xf32, #tpu.memory_space<vmem>>[vector<16xi32>, vector<16xi32>], vector<16xf32>,
        %gather3A_50 = tpu.vector_load_idx %arg12[%add3A_40, %broadcast_in_dim3A_48] : memref<128x32xf32, #tpu.memory_space<vmem>>[vector<16xi32>, vector<16xi32>], vector<16xf32>,
        %mul3A_51 = arith.mulf %gather3A_49, %gather3A_50 : vector<16xf32>
        %add3A_52 = arith.addf %add3A_46, %mul3A_51 : vector<16xf32>
        %broadcast_in_dim3A_53 = arith.constant 2 : i32
        %broadcast_in_dim3A_54 = vector.broadcast %broadcast_in_dim3A_53 : i32 to vector<16xi32>
        %gather3A_55 = tpu.vector_load_idx %arg11[%add3A_40, %broadcast_in_dim3A_54] : memref<128x32xf32, #tpu.memory_space<vmem>>[vector<16xi32>, vector<16xi32>], vector<16xf32>,
        %gather3A_56 = tpu.vector_load_idx %arg12[%add3A_40, %broadcast_in_dim3A_54] : memref<128x32xf32, #tpu.memory_space<vmem>>[vector<16xi32>, vector<16xi32>], vector<16xf32>,
        %mul3A_57 = arith.mulf %gather3A_55, %gather3A_56 : vector<16xf32>
        %add3A_58 = arith.addf %add3A_52, %mul3A_57 : vector<16xf32>
        %broadcast_in_dim3A_59 = arith.constant 3 : i32
        %broadcast_in_dim3A_60 = vector.broadcast %broadcast_in_dim3A_59 : i32 to vector<16xi32>
        %gather3A_61 = tpu.vector_load_idx %arg11[%add3A_40, %broadcast_in_dim3A_60] : memref<128x32xf32, #tpu.memory_space<vmem>>[vector<16xi32>, vector<16xi32>], vector<16xf32>,
        %gather3A_62 = tpu.vector_load_idx %arg12[%add3A_40, %broadcast_in_dim3A_60] : memref<128x32xf32, #tpu.memory_space<vmem>>[vector<16xi32>, vector<16xi32>], vector<16xf32>,
        %mul3A_63 = arith.mulf %gather3A_61, %gather3A_62 : vector<16xf32>
        %add3A_64 = arith.addf %add3A_58, %mul3A_63 : vector<16xf32>
        %broadcast_in_dim3A_65 = arith.constant 4 : i32
        %broadcast_in_dim3A_66 = vector.broadcast %broadcast_in_dim3A_65 : i32 to vector<16xi32>
        %gather3A_67 = tpu.vector_load_idx %arg11[%add3A_40, %broadcast_in_dim3A_66] : memref<128x32xf32, #tpu.memory_space<vmem>>[vector<16xi32>, vector<16xi32>], vector<16xf32>,
        %gather3A_68 = tpu.vector_load_idx %arg12[%add3A_40, %broadcast_in_dim3A_66] : memref<128x32xf32, #tpu.memory_space<vmem>>[vector<16xi32>, vector<16xi32>], vector<16xf32>,
        %mul3A_69 = arith.mulf %gather3A_67, %gather3A_68 : vector<16xf32>
        %add3A_70 = arith.addf %add3A_64, %mul3A_69 : vector<16xf32>
        %broadcast_in_dim3A_71 = arith.constant 5 : i32
        %broadcast_in_dim3A_72 = vector.broadcast %broadcast_in_dim3A_71 : i32 to vector<16xi32>
        %gather3A_73 = tpu.vector_load_idx %arg11[%add3A_40, %broadcast_in_dim3A_72] : memref<128x32xf32, #tpu.memory_space<vmem>>[vector<16xi32>, vector<16xi32>], vector<16xf32>,
        %gather3A_74 = tpu.vector_load_idx %arg12[%add3A_40, %broadcast_in_dim3A_72] : memref<128x32xf32, #tpu.memory_space<vmem>>[vector<16xi32>, vector<16xi32>], vector<16xf32>,
        %mul3A_75 = arith.mulf %gather3A_73, %gather3A_74 : vector<16xf32>
        %add3A_76 = arith.addf %add3A_70, %mul3A_75 : vector<16xf32>
        %broadcast_in_dim3A_77 = arith.constant 6 : i32
        %broadcast_in_dim3A_78 = vector.broadcast %broadcast_in_dim3A_77 : i32 to vector<16xi32>
        %gather3A_79 = tpu.vector_load_idx %arg11[%add3A_40, %broadcast_in_dim3A_78] : memref<128x32xf32, #tpu.memory_space<vmem>>[vector<16xi32>, vector<16xi32>], vector<16xf32>,
        %gather3A_80 = tpu.vector_load_idx %arg12[%add3A_40, %broadcast_in_dim3A_78] : memref<128x32xf32, #tpu.memory_space<vmem>>[vector<16xi32>, vector<16xi32>], vector<16xf32>,
        %mul3A_81 = arith.mulf %gather3A_79, %gather3A_80 : vector<16xf32>
        %add3A_82 = arith.addf %add3A_76, %mul3A_81 : vector<16xf32>
        %broadcast_in_dim3A_83 = arith.constant 7 : i32
        %broadcast_in_dim3A_84 = vector.broadcast %broadcast_in_dim3A_83 : i32 to vector<16xi32>
        %gather3A_85 = tpu.vector_load_idx %arg11[%add3A_40, %broadcast_in_dim3A_84] : memref<128x32xf32, #tpu.memory_space<vmem>>[vector<16xi32>, vector<16xi32>], vector<16xf32>,
        %gather3A_86 = tpu.vector_load_idx %arg12[%add3A_40, %broadcast_in_dim3A_84] : memref<128x32xf32, #tpu.memory_space<vmem>>[vector<16xi32>, vector<16xi32>], vector<16xf32>,
        %mul3A_87 = arith.mulf %gather3A_85, %gather3A_86 : vector<16xf32>
        %add3A_88 = arith.addf %add3A_82, %mul3A_87 : vector<16xf32>
        %broadcast_in_dim3A_89 = arith.constant 8 : i32
        %broadcast_in_dim3A_90 = vector.broadcast %broadcast_in_dim3A_89 : i32 to vector<16xi32>
        %gather3A_91 = tpu.vector_load_idx %arg11[%add3A_40, %broadcast_in_dim3A_90] : memref<128x32xf32, #tpu.memory_space<vmem>>[vector<16xi32>, vector<16xi32>], vector<16xf32>,
        %gather3A_92 = tpu.vector_load_idx %arg12[%add3A_40, %broadcast_in_dim3A_90] : memref<128x32xf32, #tpu.memory_space<vmem>>[vector<16xi32>, vector<16xi32>], vector<16xf32>,
        %mul3A_93 = arith.mulf %gather3A_91, %gather3A_92 : vector<16xf32>
        %add3A_94 = arith.addf %add3A_88, %mul3A_93 : vector<16xf32>
        %broadcast_in_dim3A_95 = arith.constant 9 : i32
        %broadcast_in_dim3A_96 = vector.broadcast %broadcast_in_dim3A_95 : i32 to vector<16xi32>
        %gather3A_97 = tpu.vector_load_idx %arg11[%add3A_40, %broadcast_in_dim3A_96] : memref<128x32xf32, #tpu.memory_space<vmem>>[vector<16xi32>, vector<16xi32>], vector<16xf32>,
        %gather3A_98 = tpu.vector_load_idx %arg12[%add3A_40, %broadcast_in_dim3A_96] : memref<128x32xf32, #tpu.memory_space<vmem>>[vector<16xi32>, vector<16xi32>], vector<16xf32>,
        %mul3A_99 = arith.mulf %gather3A_97, %gather3A_98 : vector<16xf32>
        %add3A_100 = arith.addf %add3A_94, %mul3A_99 : vector<16xf32>
        %broadcast_in_dim3A_101 = arith.constant 10 : i32
        %broadcast_in_dim3A_102 = vector.broadcast %broadcast_in_dim3A_101 : i32 to vector<16xi32>
        %gather3A_103 = tpu.vector_load_idx %arg11[%add3A_40, %broadcast_in_dim3A_102] : memref<128x32xf32, #tpu.memory_space<vmem>>[vector<16xi32>, vector<16xi32>], vector<16xf32>,
        %gather3A_104 = tpu.vector_load_idx %arg12[%add3A_40, %broadcast_in_dim3A_102] : memref<128x32xf32, #tpu.memory_space<vmem>>[vector<16xi32>, vector<16xi32>], vector<16xf32>,
        %mul3A_105 = arith.mulf %gather3A_103, %gather3A_104 : vector<16xf32>
        %add3A_106 = arith.addf %add3A_100, %mul3A_105 : vector<16xf32>
        %broadcast_in_dim3A_107 = arith.constant 11 : i32
        %broadcast_in_dim3A_108 = vector.broadcast %broadcast_in_dim3A_107 : i32 to vector<16xi32>
        %gather3A_109 = tpu.vector_load_idx %arg11[%add3A_40, %broadcast_in_dim3A_108] : memref<128x32xf32, #tpu.memory_space<vmem>>[vector<16xi32>, vector<16xi32>], vector<16xf32>,
        %gather3A_110 = tpu.vector_load_idx %arg12[%add3A_40, %broadcast_in_dim3A_108] : memref<128x32xf32, #tpu.memory_space<vmem>>[vector<16xi32>, vector<16xi32>], vector<16xf32>,
        %mul3A_111 = arith.mulf %gather3A_109, %gather3A_110 : vector<16xf32>
        %add3A_112 = arith.addf %add3A_106, %mul3A_111 : vector<16xf32>
        %broadcast_in_dim3A_113 = arith.constant 12 : i32
        %broadcast_in_dim3A_114 = vector.broadcast %broadcast_in_dim3A_113 : i32 to vector<16xi32>
        %gather3A_115 = tpu.vector_load_idx %arg11[%add3A_40, %broadcast_in_dim3A_114] : memref<128x32xf32, #tpu.memory_space<vmem>>[vector<16xi32>, vector<16xi32>], vector<16xf32>,
        %gather3A_116 = tpu.vector_load_idx %arg12[%add3A_40, %broadcast_in_dim3A_114] : memref<128x32xf32, #tpu.memory_space<vmem>>[vector<16xi32>, vector<16xi32>], vector<16xf32>,
        %mul3A_117 = arith.mulf %gather3A_115, %gather3A_116 : vector<16xf32>
        %add3A_118 = arith.addf %add3A_112, %mul3A_117 : vector<16xf32>
        %broadcast_in_dim3A_119 = arith.constant 13 : i32
        %broadcast_in_dim3A_120 = vector.broadcast %broadcast_in_dim3A_119 : i32 to vector<16xi32>
        %gather3A_121 = tpu.vector_load_idx %arg11[%add3A_40, %broadcast_in_dim3A_120] : memref<128x32xf32, #tpu.memory_space<vmem>>[vector<16xi32>, vector<16xi32>], vector<16xf32>,
        %gather3A_122 = tpu.vector_load_idx %arg12[%add3A_40, %broadcast_in_dim3A_120] : memref<128x32xf32, #tpu.memory_space<vmem>>[vector<16xi32>, vector<16xi32>], vector<16xf32>,
        %mul3A_123 = arith.mulf %gather3A_121, %gather3A_122 : vector<16xf32>
        %add3A_124 = arith.addf %add3A_118, %mul3A_123 : vector<16xf32>
        %broadcast_in_dim3A_125 = arith.constant 14 : i32
        %broadcast_in_dim3A_126 = vector.broadcast %broadcast_in_dim3A_125 : i32 to vector<16xi32>
        %gather3A_127 = tpu.vector_load_idx %arg11[%add3A_40, %broadcast_in_dim3A_126] : memref<128x32xf32, #tpu.memory_space<vmem>>[vector<16xi32>, vector<16xi32>], vector<16xf32>,
        %gather3A_128 = tpu.vector_load_idx %arg12[%add3A_40, %broadcast_in_dim3A_126] : memref<128x32xf32, #tpu.memory_space<vmem>>[vector<16xi32>, vector<16xi32>], vector<16xf32>,
        %mul3A_129 = arith.mulf %gather3A_127, %gather3A_128 : vector<16xf32>
        %add3A_130 = arith.addf %add3A_124, %mul3A_129 : vector<16xf32>
        %broadcast_in_dim3A_131 = arith.constant 15 : i32
        %broadcast_in_dim3A_132 = vector.broadcast %broadcast_in_dim3A_131 : i32 to vector<16xi32>
        %gather3A_133 = tpu.vector_load_idx %arg11[%add3A_40, %broadcast_in_dim3A_132] : memref<128x32xf32, #tpu.memory_space<vmem>>[vector<16xi32>, vector<16xi32>], vector<16xf32>,
        %gather3A_134 = tpu.vector_load_idx %arg12[%add3A_40, %broadcast_in_dim3A_132] : memref<128x32xf32, #tpu.memory_space<vmem>>[vector<16xi32>, vector<16xi32>], vector<16xf32>,
        %mul3A_135 = arith.mulf %gather3A_133, %gather3A_134 : vector<16xf32>
        %add3A_136 = arith.addf %add3A_130, %mul3A_135 : vector<16xf32>
        %broadcast_in_dim3A_137 = arith.constant 16 : i32
        %broadcast_in_dim3A_138 = vector.broadcast %broadcast_in_dim3A_137 : i32 to vector<16xi32>
        %gather3A_139 = tpu.vector_load_idx %arg11[%add3A_40, %broadcast_in_dim3A_138] : memref<128x32xf32, #tpu.memory_space<vmem>>[vector<16xi32>, vector<16xi32>], vector<16xf32>,
        %gather3A_140 = tpu.vector_load_idx %arg12[%add3A_40, %broadcast_in_dim3A_138] : memref<128x32xf32, #tpu.memory_space<vmem>>[vector<16xi32>, vector<16xi32>], vector<16xf32>,
        %mul3A_141 = arith.mulf %gather3A_139, %gather3A_140 : vector<16xf32>
        %add3A_142 = arith.addf %add3A_136, %mul3A_141 : vector<16xf32>
        %broadcast_in_dim3A_143 = arith.constant 17 : i32
        %broadcast_in_dim3A_144 = vector.broadcast %broadcast_in_dim3A_143 : i32 to vector<16xi32>
        %gather3A_145 = tpu.vector_load_idx %arg11[%add3A_40, %broadcast_in_dim3A_144] : memref<128x32xf32, #tpu.memory_space<vmem>>[vector<16xi32>, vector<16xi32>], vector<16xf32>,
        %gather3A_146 = tpu.vector_load_idx %arg12[%add3A_40, %broadcast_in_dim3A_144] : memref<128x32xf32, #tpu.memory_space<vmem>>[vector<16xi32>, vector<16xi32>], vector<16xf32>,
        %mul3A_147 = arith.mulf %gather3A_145, %gather3A_146 : vector<16xf32>
        %add3A_148 = arith.addf %add3A_142, %mul3A_147 : vector<16xf32>
        %broadcast_in_dim3A_149 = arith.constant 18 : i32
        %broadcast_in_dim3A_150 = vector.broadcast %broadcast_in_dim3A_149 : i32 to vector<16xi32>
        %gather3A_151 = tpu.vector_load_idx %arg11[%add3A_40, %broadcast_in_dim3A_150] : memref<128x32xf32, #tpu.memory_space<vmem>>[vector<16xi32>, vector<16xi32>], vector<16xf32>,
        %gather3A_152 = tpu.vector_load_idx %arg12[%add3A_40, %broadcast_in_dim3A_150] : memref<128x32xf32, #tpu.memory_space<vmem>>[vector<16xi32>, vector<16xi32>], vector<16xf32>,
        %mul3A_153 = arith.mulf %gather3A_151, %gather3A_152 : vector<16xf32>
        %add3A_154 = arith.addf %add3A_148, %mul3A_153 : vector<16xf32>
        %broadcast_in_dim3A_155 = arith.constant 19 : i32
        %broadcast_in_dim3A_156 = vector.broadcast %broadcast_in_dim3A_155 : i32 to vector<16xi32>
        %gather3A_157 = tpu.vector_load_idx %arg11[%add3A_40, %broadcast_in_dim3A_156] : memref<128x32xf32, #tpu.memory_space<vmem>>[vector<16xi32>, vector<16xi32>], vector<16xf32>,
        %gather3A_158 = tpu.vector_load_idx %arg12[%add3A_40, %broadcast_in_dim3A_156] : memref<128x32xf32, #tpu.memory_space<vmem>>[vector<16xi32>, vector<16xi32>], vector<16xf32>,
        %mul3A_159 = arith.mulf %gather3A_157, %gather3A_158 : vector<16xf32>
        %add3A_160 = arith.addf %add3A_154, %mul3A_159 : vector<16xf32>
        %broadcast_in_dim3A_161 = arith.constant 20 : i32
        %broadcast_in_dim3A_162 = vector.broadcast %broadcast_in_dim3A_161 : i32 to vector<16xi32>
        %gather3A_163 = tpu.vector_load_idx %arg11[%add3A_40, %broadcast_in_dim3A_162] : memref<128x32xf32, #tpu.memory_space<vmem>>[vector<16xi32>, vector<16xi32>], vector<16xf32>,
        %gather3A_164 = tpu.vector_load_idx %arg12[%add3A_40, %broadcast_in_dim3A_162] : memref<128x32xf32, #tpu.memory_space<vmem>>[vector<16xi32>, vector<16xi32>], vector<16xf32>,
        %mul3A_165 = arith.mulf %gather3A_163, %gather3A_164 : vector<16xf32>
        %add3A_166 = arith.addf %add3A_160, %mul3A_165 : vector<16xf32>
        %broadcast_in_dim3A_167 = arith.constant 21 : i32
        %broadcast_in_dim3A_168 = vector.broadcast %broadcast_in_dim3A_167 : i32 to vector<16xi32>
        %gather3A_169 = tpu.vector_load_idx %arg11[%add3A_40, %broadcast_in_dim3A_168] : memref<128x32xf32, #tpu.memory_space<vmem>>[vector<16xi32>, vector<16xi32>], vector<16xf32>,
        %gather3A_170 = tpu.vector_load_idx %arg12[%add3A_40, %broadcast_in_dim3A_168] : memref<128x32xf32, #tpu.memory_space<vmem>>[vector<16xi32>, vector<16xi32>], vector<16xf32>,
        %mul3A_171 = arith.mulf %gather3A_169, %gather3A_170 : vector<16xf32>
        %add3A_172 = arith.addf %add3A_166, %mul3A_171 : vector<16xf32>
        %broadcast_in_dim3A_173 = arith.constant 22 : i32
        %broadcast_in_dim3A_174 = vector.broadcast %broadcast_in_dim3A_173 : i32 to vector<16xi32>
        %gather3A_175 = tpu.vector_load_idx %arg11[%add3A_40, %broadcast_in_dim3A_174] : memref<128x32xf32, #tpu.memory_space<vmem>>[vector<16xi32>, vector<16xi32>], vector<16xf32>,
        %gather3A_176 = tpu.vector_load_idx %arg12[%add3A_40, %broadcast_in_dim3A_174] : memref<128x32xf32, #tpu.memory_space<vmem>>[vector<16xi32>, vector<16xi32>], vector<16xf32>,
        %mul3A_177 = arith.mulf %gather3A_175, %gather3A_176 : vector<16xf32>
        %add3A_178 = arith.addf %add3A_172, %mul3A_177 : vector<16xf32>
        %broadcast_in_dim3A_179 = arith.constant 23 : i32
        %broadcast_in_dim3A_180 = vector.broadcast %broadcast_in_dim3A_179 : i32 to vector<16xi32>
        %gather3A_181 = tpu.vector_load_idx %arg11[%add3A_40, %broadcast_in_dim3A_180] : memref<128x32xf32, #tpu.memory_space<vmem>>[vector<16xi32>, vector<16xi32>], vector<16xf32>,
        %gather3A_182 = tpu.vector_load_idx %arg12[%add3A_40, %broadcast_in_dim3A_180] : memref<128x32xf32, #tpu.memory_space<vmem>>[vector<16xi32>, vector<16xi32>], vector<16xf32>,
        %mul3A_183 = arith.mulf %gather3A_181, %gather3A_182 : vector<16xf32>
        %add3A_184 = arith.addf %add3A_178, %mul3A_183 : vector<16xf32>
        %broadcast_in_dim3A_185 = arith.constant 24 : i32
        %broadcast_in_dim3A_186 = vector.broadcast %broadcast_in_dim3A_185 : i32 to vector<16xi32>
        %gather3A_187 = tpu.vector_load_idx %arg11[%add3A_40, %broadcast_in_dim3A_186] : memref<128x32xf32, #tpu.memory_space<vmem>>[vector<16xi32>, vector<16xi32>], vector<16xf32>,
        %gather3A_188 = tpu.vector_load_idx %arg12[%add3A_40, %broadcast_in_dim3A_186] : memref<128x32xf32, #tpu.memory_space<vmem>>[vector<16xi32>, vector<16xi32>], vector<16xf32>,
        %mul3A_189 = arith.mulf %gather3A_187, %gather3A_188 : vector<16xf32>
        %add3A_190 = arith.addf %add3A_184, %mul3A_189 : vector<16xf32>
        %broadcast_in_dim3A_191 = arith.constant 25 : i32
        %broadcast_in_dim3A_192 = vector.broadcast %broadcast_in_dim3A_191 : i32 to vector<16xi32>
        %gather3A_193 = tpu.vector_load_idx %arg11[%add3A_40, %broadcast_in_dim3A_192] : memref<128x32xf32, #tpu.memory_space<vmem>>[vector<16xi32>, vector<16xi32>], vector<16xf32>,
        %gather3A_194 = tpu.vector_load_idx %arg12[%add3A_40, %broadcast_in_dim3A_192] : memref<128x32xf32, #tpu.memory_space<vmem>>[vector<16xi32>, vector<16xi32>], vector<16xf32>,
        %mul3A_195 = arith.mulf %gather3A_193, %gather3A_194 : vector<16xf32>
        %add3A_196 = arith.addf %add3A_190, %mul3A_195 : vector<16xf32>
        %broadcast_in_dim3A_197 = arith.constant 26 : i32
        %broadcast_in_dim3A_198 = vector.broadcast %broadcast_in_dim3A_197 : i32 to vector<16xi32>
        %gather3A_199 = tpu.vector_load_idx %arg11[%add3A_40, %broadcast_in_dim3A_198] : memref<128x32xf32, #tpu.memory_space<vmem>>[vector<16xi32>, vector<16xi32>], vector<16xf32>,
        %gather3A_200 = tpu.vector_load_idx %arg12[%add3A_40, %broadcast_in_dim3A_198] : memref<128x32xf32, #tpu.memory_space<vmem>>[vector<16xi32>, vector<16xi32>], vector<16xf32>,
        %mul3A_201 = arith.mulf %gather3A_199, %gather3A_200 : vector<16xf32>
        %add3A_202 = arith.addf %add3A_196, %mul3A_201 : vector<16xf32>
        %broadcast_in_dim3A_203 = arith.constant 27 : i32
        %broadcast_in_dim3A_204 = vector.broadcast %broadcast_in_dim3A_203 : i32 to vector<16xi32>
        %gather3A_205 = tpu.vector_load_idx %arg11[%add3A_40, %broadcast_in_dim3A_204] : memref<128x32xf32, #tpu.memory_space<vmem>>[vector<16xi32>, vector<16xi32>], vector<16xf32>,
        %gather3A_206 = tpu.vector_load_idx %arg12[%add3A_40, %broadcast_in_dim3A_204] : memref<128x32xf32, #tpu.memory_space<vmem>>[vector<16xi32>, vector<16xi32>], vector<16xf32>,
        %mul3A_207 = arith.mulf %gather3A_205, %gather3A_206 : vector<16xf32>
        %add3A_208 = arith.addf %add3A_202, %mul3A_207 : vector<16xf32>
        %broadcast_in_dim3A_209 = arith.constant 28 : i32
        %broadcast_in_dim3A_210 = vector.broadcast %broadcast_in_dim3A_209 : i32 to vector<16xi32>
        %gather3A_211 = tpu.vector_load_idx %arg11[%add3A_40, %broadcast_in_dim3A_210] : memref<128x32xf32, #tpu.memory_space<vmem>>[vector<16xi32>, vector<16xi32>], vector<16xf32>,
        %gather3A_212 = tpu.vector_load_idx %arg12[%add3A_40, %broadcast_in_dim3A_210] : memref<128x32xf32, #tpu.memory_space<vmem>>[vector<16xi32>, vector<16xi32>], vector<16xf32>,
        %mul3A_213 = arith.mulf %gather3A_211, %gather3A_212 : vector<16xf32>
        %add3A_214 = arith.addf %add3A_208, %mul3A_213 : vector<16xf32>
        %broadcast_in_dim3A_215 = arith.constant 29 : i32
        %broadcast_in_dim3A_216 = vector.broadcast %broadcast_in_dim3A_215 : i32 to vector<16xi32>
        %gather3A_217 = tpu.vector_load_idx %arg11[%add3A_40, %broadcast_in_dim3A_216] : memref<128x32xf32, #tpu.memory_space<vmem>>[vector<16xi32>, vector<16xi32>], vector<16xf32>,
        %gather3A_218 = tpu.vector_load_idx %arg12[%add3A_40, %broadcast_in_dim3A_216] : memref<128x32xf32, #tpu.memory_space<vmem>>[vector<16xi32>, vector<16xi32>], vector<16xf32>,
        %mul3A_219 = arith.mulf %gather3A_217, %gather3A_218 : vector<16xf32>
        %add3A_220 = arith.addf %add3A_214, %mul3A_219 : vector<16xf32>
        %broadcast_in_dim3A_221 = arith.constant 30 : i32
        %broadcast_in_dim3A_222 = vector.broadcast %broadcast_in_dim3A_221 : i32 to vector<16xi32>
        %gather3A_223 = tpu.vector_load_idx %arg11[%add3A_40, %broadcast_in_dim3A_222] : memref<128x32xf32, #tpu.memory_space<vmem>>[vector<16xi32>, vector<16xi32>], vector<16xf32>,
        %gather3A_224 = tpu.vector_load_idx %arg12[%add3A_40, %broadcast_in_dim3A_222] : memref<128x32xf32, #tpu.memory_space<vmem>>[vector<16xi32>, vector<16xi32>], vector<16xf32>,
        %mul3A_225 = arith.mulf %gather3A_223, %gather3A_224 : vector<16xf32>
        %add3A_226 = arith.addf %add3A_220, %mul3A_225 : vector<16xf32>
        %broadcast_in_dim3A_227 = arith.constant 31 : i32
        %broadcast_in_dim3A_228 = vector.broadcast %broadcast_in_dim3A_227 : i32 to vector<16xi32>
        %gather3A_229 = tpu.vector_load_idx %arg11[%add3A_40, %broadcast_in_dim3A_228] : memref<128x32xf32, #tpu.memory_space<vmem>>[vector<16xi32>, vector<16xi32>], vector<16xf32>,
        %gather3A_230 = tpu.vector_load_idx %arg12[%add3A_40, %broadcast_in_dim3A_228] : memref<128x32xf32, #tpu.memory_space<vmem>>[vector<16xi32>, vector<16xi32>], vector<16xf32>,
        %mul3A_231 = arith.mulf %gather3A_229, %gather3A_230 : vector<16xf32>
        %add3A_232 = arith.addf %add3A_226, %mul3A_231 : vector<16xf32>
        %neg3A = arith.constant 0.000000e+00 : f32
        %neg3A_233 = vector.broadcast %neg3A : f32 to vector<16xf32>
        %neg3A_234 = arith.subf %neg3A_233, %add3A_232 : vector<16xf32>
        %exp3A = math.exp %neg3A_234 : vector<16xf32>
        %add3A_235 = arith.constant 1.000000e+00 : f32
        %add3A_236 = vector.broadcast %add3A_235 : f32 to vector<16xf32>
        %add3A_237 = arith.addf %add3A_236, %exp3A : vector<16xf32>
        %div3A = arith.constant 1.000000e+00 : f32
        %div3A_238 = vector.broadcast %div3A : f32 to vector<16xf32>
        %div3A_239 = arith.divf %div3A_238, %add3A_237 : vector<16xf32>
        %mul3A_240 = arith.constant 16 : i32
        %mul3A_241 = arith.muli %scan3A_36, %mul3A_240 : i32
        %swap3A = arith.index_cast %mul3A_241 : i32 to index
        %swap3A_242 = tpu.vector_load %arg13[%swap3A] {strides = array<i32>} : memref<128xf32, #tpu.memory_space<vmem>>, vector<16xf32>,
        tpu.vector_store %arg13[%swap3A], %div3A_239 {strides = array<i32>} : memref<128xf32, #tpu.memory_space<vmem>>, vector<16xf32>,
      }
      %scan3A_35 = arith.constant 8 : i32
      "tpu.region"() ({
        %run_scoped3A = tpu.sem_alloc : memref<!tpu.dma_semaphore, #tpu.memory_space<semaphore_mem>>
        %dma_start3A_36 = tpu.memref_slice %arg7[%add3A_11] : memref<802816xf32, #tpu.memory_space<hbm>> -> memref<128xf32, #tpu.memory_space<hbm>>
        %dma_start3A_37 = tpu.memref_slice %arg7[%add3A_11] : memref<802816xf32, #tpu.memory_space<hbm>> -> memref<128xf32, #tpu.memory_space<hbm>>
        tpu.enqueue_dma source(%arg13 : memref<128xf32, #tpu.memory_space<vmem>>) target(%dma_start3A_37 : memref<128xf32, #tpu.memory_space<hbm>>) target_semaphore(%run_scoped3A : memref<!tpu.dma_semaphore, #tpu.memory_space<semaphore_mem>>)
        %dma_wait3A_38 = tpu.memref_slice %arg7[%add3A_11] : memref<802816xf32, #tpu.memory_space<hbm>> -> memref<128xf32, #tpu.memory_space<hbm>>
        %dma_wait3A_39 = tpu.memref_slice %arg7[%add3A_11] : memref<802816xf32, #tpu.memory_space<hbm>> -> memref<128xf32, #tpu.memory_space<hbm>>
        tpu.wait_dma2 semaphore(%run_scoped3A : memref<!tpu.dma_semaphore, #tpu.memory_space<semaphore_mem>>) src(%arg13 : memref<128xf32, #tpu.memory_space<vmem>>) dst(%dma_wait3A_39 : memref<128xf32, #tpu.memory_space<hbm>>)
        tpu.yield
      }) : () -> ()
    }
    %scan3A_7 = arith.constant 196 : i32
    return
  }
}

</mosaic_0001>

<sc_bundles>
// kernel: kernel.3.cloned.1.call-start
scs
__scs_entry_jumppad:
0x0: {  	(pc) =	sbr.rel $0x88, $3  }
0x1: {  	(tag) =	ssettag $0x0;
	lr =	simm.s32 $0x1  }
0x2: {  	[smem:$0x3F9D] =	sst lr;
	_ =	strace $0xD0000000  }
0x3: {  	_ = 	snop  }
0x4: {  	_ = 	snop  }
0x5: {  	_ = 	snop  }
0x6: {  	_ = 	snop  }
0x7: {  	_ = 	snop  }
__scs_overlays_trampoline_lowered:
0x8: {  	[smem:$0x3FAC] =	sst s0  }
0x9: {  	[smem:$0x3FAD] =	sst s1  }
0xa: {  	[smem:$0x3FAE] =	sst s2  }
0xb: {  	[smem:$0x3FAF] =	sst s3  }
0xc: {  	[smem:$0x3FB0] =	sst s4  }
0xd: {  	[smem:$0x3FB1] =	sst s5  }
0xe: {  	[smem:$0x3FB2] =	sst s6  }
0xf: {  	[smem:$0x3FB3] =	sst s7  }
0x10: {  	[smem:$0x3FB4] =	sst s8  }
0x11: {  	[smem:$0x3FB5] =	sst s9;
	s0 =	simm.s32 @!p0 $0x0  }
0x12: {  	s1 =	sld [smem:$0x3F9B];
	s0 =	simm.s32 @p0 $0x1  }
0x13: {  	[smem:$0x3FB6] =	sst s0;
	s0 =	simm.s32 @!p1 $0x0  }
0x14: {  	s2 =	sld [smem:$0x3F9A];
	s0 =	simm.s32 @p1 $0x1  }
0x15: {  	[smem:$0x3FB7] =	sst s0;
	s0 =	simm.s32 @!p2 $0x0  }
0x16: {  	s3 =	sld [smem:$0x3FDB];
	s0 =	simm.s32 @p2 $0x1  }
0x17: {  	s4 =	simm.s32 $0x1BF5;
	[smem:$0x3FB9] =	sst s0  }
0x18: {  	s0 =	sld [smem:$0x3F9C];
	_ =	swait.ge [sflag:s4], $0x0  }
0x19: {  	s7 =	sld [smem:$0x3F9D]  }
0x1a: {  	s8 =	sadd.s32 $0xFFFFE003, lr  }
0x1b: {  	s9 =	sadd.s32 $0xFFFFFEF7, lr;
	s5 =	simm.s32 $0xFFFFFFFF;
	p2 =	slt.u32 s8, $0xFFFFF086  }
0x1c: {  	p1 =	slt.u32 s9, $0xF7A;
	s5 =	simm.s32 @!p2 $0x0  }
0x1d: {  	s5 =	simm.s32 @p1 $0x1;
	p0 =	seq.s32 s7, s2  }
0x1e: {  	s7 =	smul.u32 @!p0 $0xF7A, s2;
	p2 =	seq.s32 @!p0 s5, $0x0  }
0x1f: {  	s9 =	smul.u32 $0xF7A, s1;
	s8 =	simm.s32 @!p0 $0x1BF5;
	p2 =	por !p2, p0  }
0x20: {  	[sflag:s8] =	ssyncset.s32 @!p0 $0xFFFFF086;
	s6 =	sadd.s32 @!p0 s3, s7;
	s7 =	simm.s32 @!p0 $0x108  }
0x21: {  	s3 =	sadd.s32 s3, s9;
	s6 =	sadd.s32 @!p0 $0x88, s6;
	s7 =	simm.s32 @p2 $0x1082  }
0x22: {  	[simem:s7], [sflag:s8] =	dma.local @!p0 [hbm:s6], $0xF7A  }
0x23: {  	s9 =	sor.u32 $0xD0000000, s2;
	s6 =	simm.s32 $0x108;
	_ =	swait.ge @!p0 [sflag:s8], $0x0  }
0x24: {  	s3 =	sadd.s32 $0x88, s3;
	s6 =	simm.s32 @!p1 $0x1082;
	[sflag:s4] =	ssyncset.s32 $0xFFFFF086  }
0x25: {  	[simem:s6], [sflag:s4] =	dma.local [hbm:s3], $0xF7A  }
0x26: {  	[smem:$0x3F9D] =	sst s1;
	(tag) =	ssettag s2;
	_ =	strace s9  }
0x27: {  	s1 =	sld [smem:$0x3FAD]  }
0x28: {  	s2 =	sld [smem:$0x3FAE]  }
0x29: {  	s4 =	sld [smem:$0x3FB0]  }
0x2a: {  	p0 =	seq.s32 s5, $0x0;
	s5 =	sld [smem:$0x3FB1]  }
0x2b: {  	s6 =	sld [smem:$0x3FB2]  }
0x2c: {  	s7 =	sld [smem:$0x3FB3]  }
0x2d: {  	s3 =	simm.s32 $0x108;
	s8 =	sld [smem:$0x3FB4]  }
0x2e: {  	s3 =	simm.s32 @!p0 $0x1082;
	s9 =	sld [smem:$0x3FB5]  }
0x2f: {  	lr =	sadd.s32 s0, s3;
	s0 =	sld [smem:$0x3FAC]  }
0x30: {  	s3 =	sld [smem:$0x3FAF]  }
0x31: {  	[smem:$0x3FB8] =	sst s10  }
0x32: {  	s10 =	sld [smem:$0x3FB6];
	_ =	sdelay $0x3  }
0x33: {  	p0 =	seq.s32 s10, $0x1;
	s10 =	sld [smem:$0x3FB8];
	_ =	sdelay $0x3  }
0x34: {  	[smem:$0x3FB8] =	sst s10  }
0x35: {  	s10 =	sld [smem:$0x3FB7];
	_ =	sdelay $0x3  }
0x36: {  	p1 =	seq.s32 s10, $0x1;
	s10 =	sld [smem:$0x3FB8];
	_ =	sdelay $0x3  }
0x37: {  	[smem:$0x3FB8] =	sst s10  }
0x38: {  	s10 =	sld [smem:$0x3FB9]  }
0x39: {  	_ = 	snop;
	(pc) =	sbr.ind lr, $3  }
0x3a: {  	_ = 	snop  }
0x3b: {  	_ = 	snop  }
0x3c: {  	p2 =	seq.s32 s10, $0x1;
	s10 =	sld [smem:$0x3FB8]  }
0x3d: {  	_ =	shalt  }
0x3e: {  	_ =	shalt  }
0x3f: {  	_ =	shalt  }
0x40: {  	_ =	shalt  }
0x41: {  	_ =	shalt  }
0x42: {  	_ =	shalt  }
0x43: {  	_ =	shalt  }
0x44: {  	_ =	shalt  }
0x45: {  	_ =	shalt  }
0x46: {  	_ =	shalt  }
0x47: {  	_ =	shalt  }
0x48: {  	_ =	shalt  }
0x49: {  	_ =	shalt  }
0x4a: {  	_ =	shalt  }
0x4b: {  	_ =	shalt  }
0x4c: {  	_ =	shalt  }
0x4d: {  	_ =	shalt  }
0x4e: {  	_ =	shalt  }
0x4f: {  	_ =	shalt  }
0x50: {  	_ =	shalt  }
0x51: {  	_ =	shalt  }
0x52: {  	_ =	shalt  }
0x53: {  	_ =	shalt  }
0x54: {  	_ =	shalt  }
0x55: {  	_ =	shalt  }
0x56: {  	_ =	shalt  }
0x57: {  	_ =	shalt  }
0x58: {  	_ =	shalt  }
0x59: {  	_ =	shalt  }
0x5a: {  	_ =	shalt  }
0x5b: {  	_ =	shalt  }
0x5c: {  	_ =	shalt  }
0x5d: {  	_ =	shalt  }
0x5e: {  	_ =	shalt  }
0x5f: {  	_ =	shalt  }
0x60: {  	_ =	shalt  }
0x61: {  	_ =	shalt  }
0x62: {  	_ =	shalt  }
0x63: {  	_ =	shalt  }
0x64: {  	_ =	shalt  }
0x65: {  	_ =	shalt  }
0x66: {  	_ =	shalt  }
0x67: {  	_ =	shalt  }
0x68: {  	_ =	shalt  }
0x69: {  	_ =	shalt  }
0x6a: {  	_ =	shalt  }
0x6b: {  	_ =	shalt  }
0x6c: {  	_ =	shalt  }
0x6d: {  	_ =	shalt  }
0x6e: {  	_ =	shalt  }
0x6f: {  	_ =	shalt  }
0x70: {  	_ =	shalt  }
0x71: {  	_ =	shalt  }
0x72: {  	_ =	shalt  }
0x73: {  	_ =	shalt  }
0x74: {  	_ =	shalt  }
0x75: {  	_ =	shalt  }
0x76: {  	_ =	shalt  }
0x77: {  	_ =	shalt  }
0x78: {  	_ =	shalt  }
0x79: {  	_ =	shalt  }
0x7a: {  	_ =	shalt  }
0x7b: {  	_ =	shalt  }
0x7c: {  	_ =	shalt  }
0x7d: {  	_ =	shalt  }
0x7e: {  	_ =	shalt  }
0x7f: {  	_ =	shalt  }
0x80: {  	_ =	shalt  }
0x81: {  	_ =	shalt  }
0x82: {  	_ =	shalt  }
0x83: {  	_ =	shalt  }
0x84: {  	_ =	shalt  }
0x85: {  	_ =	shalt  }
0x86: {  	_ =	shalt  }
0x87: {  	_ =	shalt  }
.Lfunc_end0:
.L_simem_size_0:
called_computation_lowered:
.L_overlay_start_0:
0x88: {  	s2 =	sld [smem:$0x3FD9]  }
0x89: {  	s3 =	sld [smem:$0x3FFE];
	_ =	sdelay $0x1  }
0x8a: {  	s1 =	srdreg.scid  }
0x8b: {  	s0 =	sand.u32 $0x1, s1  }
0x8c: {  	s16 =	sshll.u32 s0, $0xA;
	s2 =	sadd.s32 s3, s2  }
0x8d: {  	s2 =	sadd.s32 s2, s16  }
0x8e: {  	[smem:$0x3FC4] =	sst s2  }
0x8f: {  	_ = 	snop  }
0x90: {  	(tm) =	ssettm $0x1  }
0x91: {  	s17 =	sld [smem:$0x3FFB];
	_ =	sdelay $0x3  }
0x92: {  	_ =	strace s17  }
0x93: {  	s2 =	sld [smem:$0x3FFC];
	_ =	sdelay $0x3  }
0x94: {  	_ =	strace s2  }
0x95: {  	s2 =	sld [smem:$0x3FFD];
	_ =	sdelay $0x3  }
0x96: {  	_ =	strace s2  }
0x97: {  	_ =	strace $0x8FFFFFFF  }
0x98: {  	s18 =	sld [smem:$0x3FDB];
	_ =	sdelay $0x1  }
0x99: {  	s19 =	simm.s32 $_scs_section_size  }
0x9a: {  	s4 =	simm.s32 $_size__tile_overlayer_lowered;
	s5 =	simm.s32 $_tile_overlayer_lowered  }
0x9b: {  	s22 =	simm.s32 $0x1BFF;
	s21 =	sshll.u32 s5, $0x1;
	s2 =	sadd.s32 s19, s18  }
0x9c: {  	s6 =	simm.s32 $0x0;
	s20 =	sshll.u32 s4, $0x1;
	s4 =	sadd.s32 s21, s2  }
0x9d: {  	[timem:s6], [sflag:s22] =	dma.local [hbm:s4], s20  }
0x9e: {  	_ =	swait.ge [sflag:s22], s20  }
0x9f: {  	s3 =	ssub.s32 $0x0, s20;
	[sflag:s22] =	ssyncset.done $0x0  }
0xa0: {  	[sflag:s22] =	ssyncadd.s32 s3;
	_ =	sdelay $0x1  }
0xa1: {  	s23 =	simm.s32 $0x1B8B  }
0xa2: {  	_ =	swait.ge [sflag:s23], $0x1  }
0xa3: {  	[sflag:s23] =	ssyncset.done $0x0  }
0xa4: {  	s25 =	simm.s32 $0x1B8E;
	s24 =	sld [smem:$0x3FFE];
	[sflag:s23] =	ssyncadd.s32 $0xFFFFFFFF  }
0xa5: {  	s26 =	simm.s32 $execute0_lowered;
	[smem:$0x3FD2] =	sst s25  }
0xa6: {  	s4 =	sshll.u32 s26, $0x1;
	_ =	strace $0x80000046;
	[dreg:$0x1] =	wrdreg $0xFFFFFFFF  }
0xa7: {  	s28 =	simm.s32 $_size_execute0_lowered;
	s2 =	sadd.s32 s2, s4;
	[dreg:$0x0] =	wrdreg $0x0  }
0xa8: {  	s4 =	sshll.u32 s28, $0x1;
	[dreg:$0x2] =	wrdreg s2  }
0xa9: {  	[dreg:$0x3] =	wrdreg s4  }
0xaa: {  	[dreg:$0x4] =	wrdreg $0xC0  }
0xab: {  	_ =	task [dreg:s6], $0x5FFFF  }
0xac: {  	[dreg:$0x1] =	wrdreg $0xFFFFFFFF  }
0xad: {  	[dreg:$0x0] =	wrdreg $0x60  }
0xae: {  	[dreg:$0x2] =	wrdreg s24  }
0xaf: {  	[dreg:$0x3] =	wrdreg $0x9  }
0xb0: {  	_ =	task.clear_ibuf [dreg:s6], $0x4FFFF;
	_ =	strace $0x90000046  }
0xb1: {  	s29 =	simm.s32 $0x9;
	_ =	strace $0x80000048  }
0xb2: {  	_ =	swait.ge [sflag:s29], $0x1  }
0xb3: {  	[sflag:s29] =	ssyncadd.s32 $0xFFFFFFFF  }
0xb4: {  	_ =	strace $0x90000048  }
0xb5: {  	_ =	sfence  }
0xb6: {  	s30 =	sld [smem:$0x0];
	_ =	sdelay $0x2  }
0xb7: {  	s31 =	sshll.u32 s1, $0xD;
	s1 =	sshrl.u32 s1, $0x2  }
0xb8: {  	s3 =	sand.u32 $0x4000, s31;
	s1 =	sadd.s32 s1, s30  }
0xb9: {  	s0 =	sor.u32 s3, s0;
	s1 =	sshll.u32 s1, $0x11  }
0xba: {  	s0 =	sor.u32 s1, s0  }
0xbb: {  	s0 =	sadd.s32 $0x8F2B, s0  }
0xbc: {  	[sflag:s0] =	ssyncadd.remote.s32 $0x1  }
0xbd: {  	_ =	sfence.sel $0xFFFF  }
0xbe: {  	[dreg:$0x0] =	wrdreg $0xFFFFFFFF;
	(pc) =	sbr.abs _section_cstart, $3  }
0xbf: {  	[dreg:$0x1] =	wrdreg $0xFFFFFFFF  }
0xc0: {  	_ =	task.clear_ibuf [dreg:s6], $0x2FFFF;
	_ =	strace $0x9FFFFFFF  }
0xc1: {  	(tm) =	ssettm $0x7FFFFFFF  }
tec
execute0_lowered:
.L_overlay_start_1:
0x0: {  	(tag) =	ssettag $0x1  }
0x1: {  	s8 =	rddreg [dreg:$0x0]  }
0x2: {  	s0 =	rddreg [dreg:$0x1];
	s1 =	simm.s32 $0x0  }
0x3: {  	s2 =	srdreg.scid;
	s13 =	simm.s32 $0x100;
	s14 =	simm.s32 $0x1  }
0x4: {  	s15 =	simm.s32 $0x2;
	s16 =	simm.s32 $0x180;
	s17 =	simm.s32 $0x1180  }
0x5: {  	s18 =	simm.s32 $0x2180;
	s19 =	simm.s32 $0x0;
	[smem:$0x7FF] =	sst s1  }
0x6: {  	s3 =	sadd.s32 $0x32C00, s8;
	s4 =	sadd.s32 $0x1E00, s8;
	s9 =	sand.u32 $0x1, s2  }
0x7: {  	s5 =	sadd.s32 $0x24C000, s8;
	s2 =	stileid.u32;
	s6 =	sadd.s32 $0x1EA400, s8  }
0x8: {  	s7 =	sadd.s32 $0x63A00, s8;
	s8 =	sadd.s32 $0x7C200, s8;
	s10 =	ssub.s32 $0x2, s9  }
0x9: {  	v0 =	vlaneseq.u32;
	_ =	strace $0x80000047;
	s12 =	sshll.u32 s2, $0x1;
	s11 =	sshrl.u32 s10, $0x1  }
0xa: {  	v0 =	vmul.u32 $0x20, v0;
	s9 =	sor.u32 s9, s12;
	s12 =	simm.s32 $0x80;
	s10 =	ssub.s32 s10, s11  }
0xb: {  	s9 =	smul.u32 $0x6200, s9;
	s11 =	simm.s32 $0x3;
	s10 =	smax.u32 s10, $0x1  }
.LBB2_1:
0xc: {  	s20 =	simm.s32 $0x0  }
.LBB2_2:
0xd: {  	s21 =	sshll.u32 s20, $0x7  }
0xe: {  	s21 =	sadd.s32 s9, s21  }
0xf: {  	s21 =	sshrl.u32 s21, $0x3  }
0x10: {  	s23 =	simm.s32 $0x0;
	s22 =	sadd.s32 s7, s21  }
0x11: {  	[tilespmem:s23], [sflag:$0x3] =	stream.linear.gather [hbm4b:s22+s23], $0x80, $0x38;
	[tilespmem:$0x2200] =	vst v63  }
0x12: {  	_ =	swait.ge [sflag:s11], $0x80  }
0x13: {  	[sflag:s11] =	ssyncset.done $0x0  }
0x14: {  	[sflag:s11] =	ssyncadd.s32 $0xFFFFFF80  }
0x15: {  	[tilespmem:s12], [sflag:$0x1] =	stream.indirect.gather [hbm4b:s3+s12], $0x1, s23, s12, $0xb8;
	[tilespmem:$0x2200] =	vst v63  }
0x16: {  	_ = 	snop  }
0x17: {  	[tilespmem:s13], [sflag:$0x2] =	stream.indirect.gather [hbm4b:s4+s12], $0x1, s23, s12, $0xb8;
	[tilespmem:$0x2200] =	vst v63  }
0x18: {  	_ =	swait.ge [sflag:s14], $0x80  }
0x19: {  	[sflag:s14] =	ssyncset.done $0x0  }
0x1a: {  	[sflag:s14] =	ssyncadd.s32 $0xFFFFFF80  }
0x1b: {  	_ =	swait.ge [sflag:s15], $0x80  }
0x1c: {  	[sflag:s15] =	ssyncset.done $0x0  }
0x1d: {  	[sflag:s15] =	ssyncadd.s32 $0xFFFFFF80  }
0x1e: {  	[tilespmem:s16], [sflag:$0x1] =	stream.indirect.gather [hbm4b:s5+s12], $0x20, s12, s12, $0xb8;
	[tilespmem:$0x2200] =	vst v63  }
0x1f: {  	_ = 	snop  }
0x20: {  	v1 =	vmov s23;
	[tilespmem:s17], [sflag:$0x2] =	stream.indirect.gather [hbm4b:s6+s12], $0x20, s13, s12, $0xb8;
	[tilespmem:$0x2200] =	vst v63  }
0x21: {  	v1 =	vshll.u32 v1, $0x5;
	_ =	swait.ge [sflag:s14], $0x1000  }
0x22: {  	v1 =	vor.u32 v0, v1;
	[sflag:s14] =	ssyncset.done $0x0  }
0x23: {  	[sflag:s14] =	ssyncadd.s32 $0xFFFFF000  }
0x24: {  	v2 =	vor.u32 $0x1, v1;
	_ =	swait.ge [sflag:s15], $0x1000  }
0x25: {  	[sflag:s15] =	ssyncset.done $0x0  }
0x26: {  	v3 =	vor.u32 $0x2, v1;
	[sflag:s15] =	ssyncadd.s32 $0xFFFFF000  }
0x27: {  	v4 =	vld.idx.msk [tilespmem:v1+s17+$0x0], $0xffff  }
0x28: {  	v6 =	vor.u32 $0x3, v1;
	v5 =	vld.idx.msk [tilespmem:v1+s16+$0x0], $0xffff  }
0x29: {  	v7 =	vld.idx.msk [tilespmem:v2+s16+$0x0], $0xffff  }
0x2a: {  	v8 =	vor.u32 $0x4, v1;
	v2 =	vld.idx.msk [tilespmem:v2+s17+$0x0], $0xffff  }
0x2b: {  	v9 =	vld.idx.msk [tilespmem:v3+s16+$0x0], $0xffff  }
0x2c: {  	v10 =	vor.u32 $0x5, v1;
	v3 =	vld.idx.msk [tilespmem:v3+s17+$0x0], $0xffff  }
0x2d: {  	v11 =	vld.idx.msk [tilespmem:v6+s16+$0x0], $0xffff;
	v4 =	vmul.f32 v4, v5  }
0x2e: {  	v41 =	vor.u32 $0x6, v1;
	v40 =	vld.idx.msk [tilespmem:v6+s17+$0x0], $0xffff  }
0x2f: {  	v12 =	vld.idx.msk [tilespmem:v8+s16+$0x0], $0xffff;
	v2 =	vmul.f32 v2, v7;
	v4 =	vadd.f32 $0.0e+00, v4  }
0x30: {  	v43 =	vor.u32 $0x7, v1;
	v42 =	vld.idx.msk [tilespmem:v8+s17+$0x0], $0xffff  }
0x31: {  	v13 =	vld.idx.msk [tilespmem:v10+s16+$0x0], $0xffff;
	v3 =	vmul.f32 v3, v9;
	v2 =	vadd.f32 v2, v4  }
0x32: {  	v45 =	vor.u32 $0x8, v1;
	v44 =	vld.idx.msk [tilespmem:v10+s17+$0x0], $0xffff  }
0x33: {  	v46 =	vld.idx.msk [tilespmem:v41+s16+$0x0], $0xffff;
	v2 =	vadd.f32 v3, v2;
	v3 =	vmul.f32 v40, v11  }
0x34: {  	v48 =	vor.u32 $0x9, v1;
	v47 =	vld.idx.msk [tilespmem:v41+s17+$0x0], $0xffff  }
0x35: {  	v49 =	vld.idx.msk [tilespmem:v43+s16+$0x0], $0xffff;
	v2 =	vadd.f32 v3, v2;
	v3 =	vmul.f32 v42, v12  }
0x36: {  	v51 =	vor.u32 $0xA, v1;
	v50 =	vld.idx.msk [tilespmem:v43+s17+$0x0], $0xffff  }
0x37: {  	v52 =	vld.idx.msk [tilespmem:v45+s16+$0x0], $0xffff;
	v2 =	vadd.f32 v3, v2;
	v3 =	vmul.f32 v44, v13  }
0x38: {  	v54 =	vor.u32 $0xB, v1;
	v53 =	vld.idx.msk [tilespmem:v45+s17+$0x0], $0xffff  }
0x39: {  	v55 =	vld.idx.msk [tilespmem:v48+s16+$0x0], $0xffff;
	v2 =	vadd.f32 v3, v2;
	v3 =	vmul.f32 v47, v46  }
0x3a: {  	v57 =	vor.u32 $0xC, v1;
	v56 =	vld.idx.msk [tilespmem:v48+s17+$0x0], $0xffff  }
0x3b: {  	v58 =	vld.idx.msk [tilespmem:v51+s16+$0x0], $0xffff;
	v2 =	vadd.f32 v3, v2;
	v3 =	vmul.f32 v50, v49  }
0x3c: {  	v60 =	vor.u32 $0xD, v1;
	v59 =	vld.idx.msk [tilespmem:v51+s17+$0x0], $0xffff  }
0x3d: {  	v61 =	vld.idx.msk [tilespmem:v54+s16+$0x0], $0xffff;
	v2 =	vadd.f32 v3, v2;
	v3 =	vmul.f32 v53, v52  }
0x3e: {  	v63 =	vor.u32 $0xE, v1;
	v62 =	vld.idx.msk [tilespmem:v54+s17+$0x0], $0xffff  }
0x3f: {  	v16 =	vld.idx.msk [tilespmem:v57+s16+$0x0], $0xffff;
	v2 =	vadd.f32 v3, v2;
	v3 =	vmul.f32 v56, v55  }
0x40: {  	v18 =	vor.u32 $0xF, v1;
	v17 =	vld.idx.msk [tilespmem:v57+s17+$0x0], $0xffff  }
0x41: {  	v19 =	vld.idx.msk [tilespmem:v60+s16+$0x0], $0xffff;
	v2 =	vadd.f32 v3, v2;
	v3 =	vmul.f32 v59, v58  }
0x42: {  	v21 =	vor.u32 $0x10, v1;
	v20 =	vld.idx.msk [tilespmem:v60+s17+$0x0], $0xffff  }
0x43: {  	v22 =	vld.idx.msk [tilespmem:v63+s16+$0x0], $0xffff;
	v2 =	vadd.f32 v3, v2;
	v3 =	vmul.f32 v62, v61  }
0x44: {  	v24 =	vor.u32 $0x11, v1;
	v23 =	vld.idx.msk [tilespmem:v63+s17+$0x0], $0xffff  }
0x45: {  	v25 =	vld.idx.msk [tilespmem:v18+s16+$0x0], $0xffff;
	v2 =	vadd.f32 v3, v2;
	v3 =	vmul.f32 v17, v16  }
0x46: {  	v27 =	vor.u32 $0x12, v1;
	v26 =	vld.idx.msk [tilespmem:v18+s17+$0x0], $0xffff  }
0x47: {  	v28 =	vld.idx.msk [tilespmem:v21+s16+$0x0], $0xffff;
	v2 =	vadd.f32 v3, v2;
	v3 =	vmul.f32 v20, v19  }
0x48: {  	v30 =	vor.u32 $0x13, v1;
	v29 =	vld.idx.msk [tilespmem:v21+s17+$0x0], $0xffff  }
0x49: {  	v31 =	vld.idx.msk [tilespmem:v24+s16+$0x0], $0xffff;
	v2 =	vadd.f32 v3, v2;
	v3 =	vmul.f32 v23, v22  }
0x4a: {  	v33 =	vor.u32 $0x14, v1;
	v32 =	vld.idx.msk [tilespmem:v24+s17+$0x0], $0xffff  }
0x4b: {  	v34 =	vld.idx.msk [tilespmem:v27+s16+$0x0], $0xffff;
	v2 =	vadd.f32 v3, v2;
	v3 =	vmul.f32 v26, v25  }
0x4c: {  	v36 =	vor.u32 $0x15, v1;
	v35 =	vld.idx.msk [tilespmem:v27+s17+$0x0], $0xffff  }
0x4d: {  	v37 =	vld.idx.msk [tilespmem:v30+s16+$0x0], $0xffff;
	v2 =	vadd.f32 v3, v2;
	v3 =	vmul.f32 v29, v28  }
0x4e: {  	v39 =	vor.u32 $0x16, v1;
	v38 =	vld.idx.msk [tilespmem:v30+s17+$0x0], $0xffff  }
0x4f: {  	v41 =	vld.idx.msk [tilespmem:v33+s17+$0x0], $0xffff;
	v2 =	vadd.f32 v3, v2;
	v3 =	vmul.f32 v32, v31  }
0x50: {  	v40 =	vld.idx.msk [tilespmem:v33+s16+$0x0], $0xffff;
	v42 =	vor.u32 $0x17, v1  }
0x51: {  	v43 =	vld.idx.msk [tilespmem:v36+s16+$0x0], $0xffff;
	v2 =	vadd.f32 v3, v2;
	v3 =	vmul.f32 v35, v34  }
0x52: {  	v45 =	vor.u32 $0x18, v1;
	v44 =	vld.idx.msk [tilespmem:v36+s17+$0x0], $0xffff  }
0x53: {  	v46 =	vld.idx.msk [tilespmem:v39+s16+$0x0], $0xffff;
	v2 =	vadd.f32 v3, v2;
	v3 =	vmul.f32 v38, v37  }
0x54: {  	v48 =	vor.u32 $0x19, v1;
	v47 =	vld.idx.msk [tilespmem:v39+s17+$0x0], $0xffff  }
0x55: {  	v49 =	vld.idx.msk [tilespmem:v42+s16+$0x0], $0xffff;
	v2 =	vadd.f32 v3, v2;
	v3 =	vmul.f32 v41, v40  }
0x56: {  	v51 =	vor.u32 $0x1A, v1;
	v50 =	vld.idx.msk [tilespmem:v42+s17+$0x0], $0xffff  }
0x57: {  	v52 =	vld.idx.msk [tilespmem:v45+s16+$0x0], $0xffff;
	v2 =	vadd.f32 v3, v2;
	v3 =	vmul.f32 v44, v43  }
0x58: {  	v54 =	vor.u32 $0x1B, v1;
	v53 =	vld.idx.msk [tilespmem:v45+s17+$0x0], $0xffff  }
0x59: {  	v55 =	vld.idx.msk [tilespmem:v48+s16+$0x0], $0xffff;
	v2 =	vadd.f32 v3, v2;
	v3 =	vmul.f32 v47, v46  }
0x5a: {  	v57 =	vor.u32 $0x1C, v1;
	v56 =	vld.idx.msk [tilespmem:v48+s17+$0x0], $0xffff  }
0x5b: {  	v58 =	vld.idx.msk [tilespmem:v51+s16+$0x0], $0xffff;
	v2 =	vadd.f32 v3, v2;
	v3 =	vmul.f32 v50, v49  }
0x5c: {  	v60 =	vor.u32 $0x1D, v1;
	v59 =	vld.idx.msk [tilespmem:v51+s17+$0x0], $0xffff  }
0x5d: {  	v61 =	vld.idx.msk [tilespmem:v54+s16+$0x0], $0xffff;
	v2 =	vadd.f32 v3, v2;
	v3 =	vmul.f32 v53, v52  }
0x5e: {  	v63 =	vor.u32 $0x1E, v1;
	v62 =	vld.idx.msk [tilespmem:v54+s17+$0x0], $0xffff  }
0x5f: {  	v16 =	vld.idx.msk [tilespmem:v57+s16+$0x0], $0xffff;
	v2 =	vadd.f32 v3, v2;
	v3 =	vmul.f32 v56, v55  }
0x60: {  	v1 =	vor.u32 $0x1F, v1;
	v17 =	vld.idx.msk [tilespmem:v57+s17+$0x0], $0xffff  }
0x61: {  	v18 =	vld.idx.msk [tilespmem:v60+s16+$0x0], $0xffff;
	v2 =	vadd.f32 v3, v2;
	v3 =	vmul.f32 v59, v58  }
0x62: {  	v19 =	vld.idx.msk [tilespmem:v60+s17+$0x0], $0xffff  }
0x63: {  	v21 =	vld.idx.msk [tilespmem:v63+s17+$0x0], $0xffff;
	v2 =	vadd.f32 v3, v2;
	v3 =	vmul.f32 v62, v61  }
0x64: {  	v20 =	vld.idx.msk [tilespmem:v63+s16+$0x0], $0xffff  }
0x65: {  	v22 =	vld.idx.msk [tilespmem:v1+s16+$0x0], $0xffff;
	v2 =	vadd.f32 v3, v2;
	v3 =	vmul.f32 v17, v16  }
0x66: {  	v1 =	vld.idx.msk [tilespmem:v1+s17+$0x0], $0xffff  }
0x67: {  	v2 =	vadd.f32 v3, v2;
	v3 =	vmul.f32 v19, v18;
	_ =	sdelay $0x1  }
0x68: {  	v2 =	vadd.f32 v3, v2;
	v3 =	vmul.f32 v21, v20;
	_ =	sdelay $0x1  }
0x69: {  	v1 =	vmul.f32 v1, v22;
	v2 =	vadd.f32 v3, v2;
	_ =	sdelay $0x1  }
0x6a: {  	v1 =	vadd.f32 v1, v2;
	_ =	sdelay $0x1  }
0x6b: {  	v1 =	vsub.f32 $0.0e+00, v1;
	_ =	sdelay $0x1  }
0x6c: {  	v1 =	vmul.f32 $1.442695020e+00, v1;
	_ =	sdelay $0x1  }
0x6d: {  	(erf) = vpow2.f32 v1;
	_ =	sdelay $0x8  }
0x6e: {  	v1 =	vpop (erf)  }
0x6f: {  	v1 =	vadd.f32 $1.000000000e+00, v1;
	_ =	sdelay $0x1  }
0x70: {  	(erf) = vrcp.f32 v1;
	_ =	sdelay $0x2  }
0x71: {  	s30 =	simm.s32 $0x10  }
0x72: {  	v1 =	vmov s30  }
0x73: {  	v1 =	vshll.u32 v1, $0x5  }
0x74: {  	v1 =	vor.u32 v0, v1;
	_ =	sdelay $0x1  }
0x75: {  	v2 =	vor.u32 $0x1, v1  }
0x76: {  	s22 =	simm.s32 $0x2180;
	v3 =	vpop (erf)  }
0x77: {  	v23 =	vor.u32 $0x2, v1;
	[tilespmem:s22+$0x0] =	vst v3  }
0x78: {  	v3 =	vld.idx.msk [tilespmem:v1+s17+$0x0], $0xffff  }
0x79: {  	v25 =	vor.u32 $0x3, v1;
	v24 =	vld.idx.msk [tilespmem:v1+s16+$0x0], $0xffff  }
0x7a: {  	v26 =	vld.idx.msk [tilespmem:v2+s16+$0x0], $0xffff  }
0x7b: {  	v27 =	vor.u32 $0x4, v1;
	v2 =	vld.idx.msk [tilespmem:v2+s17+$0x0], $0xffff  }
0x7c: {  	v28 =	vld.idx.msk [tilespmem:v23+s16+$0x0], $0xffff  }
0x7d: {  	v29 =	vor.u32 $0x5, v1;
	v4 =	vld.idx.msk [tilespmem:v23+s17+$0x0], $0xffff  }
0x7e: {  	v30 =	vld.idx.msk [tilespmem:v25+s16+$0x0], $0xffff;
	v3 =	vmul.f32 v3, v24  }
0x7f: {  	v32 =	vor.u32 $0x6, v1;
	v31 =	vld.idx.msk [tilespmem:v25+s17+$0x0], $0xffff  }
0x80: {  	v33 =	vld.idx.msk [tilespmem:v27+s16+$0x0], $0xffff;
	v2 =	vmul.f32 v2, v26;
	v3 =	vadd.f32 $0.0e+00, v3  }
0x81: {  	v35 =	vor.u32 $0x7, v1;
	v34 =	vld.idx.msk [tilespmem:v27+s17+$0x0], $0xffff  }
0x82: {  	v36 =	vld.idx.msk [tilespmem:v29+s16+$0x0], $0xffff;
	v2 =	vadd.f32 v2, v3;
	v3 =	vmul.f32 v4, v28  }
0x83: {  	v38 =	vor.u32 $0x8, v1;
	v37 =	vld.idx.msk [tilespmem:v29+s17+$0x0], $0xffff  }
0x84: {  	v39 =	vld.idx.msk [tilespmem:v32+s16+$0x0], $0xffff;
	v2 =	vadd.f32 v3, v2;
	v3 =	vmul.f32 v31, v30  }
0x85: {  	v41 =	vor.u32 $0x9, v1;
	v40 =	vld.idx.msk [tilespmem:v32+s17+$0x0], $0xffff  }
0x86: {  	v42 =	vld.idx.msk [tilespmem:v35+s16+$0x0], $0xffff;
	v2 =	vadd.f32 v3, v2;
	v3 =	vmul.f32 v34, v33  }
0x87: {  	v44 =	vor.u32 $0xA, v1;
	v43 =	vld.idx.msk [tilespmem:v35+s17+$0x0], $0xffff  }
0x88: {  	v45 =	vld.idx.msk [tilespmem:v38+s16+$0x0], $0xffff;
	v2 =	vadd.f32 v3, v2;
	v3 =	vmul.f32 v37, v36  }
0x89: {  	v47 =	vor.u32 $0xB, v1;
	v46 =	vld.idx.msk [tilespmem:v38+s17+$0x0], $0xffff  }
0x8a: {  	v48 =	vld.idx.msk [tilespmem:v41+s16+$0x0], $0xffff;
	v2 =	vadd.f32 v3, v2;
	v3 =	vmul.f32 v40, v39  }
0x8b: {  	v50 =	vor.u32 $0xC, v1;
	v49 =	vld.idx.msk [tilespmem:v41+s17+$0x0], $0xffff  }
0x8c: {  	v51 =	vld.idx.msk [tilespmem:v44+s16+$0x0], $0xffff;
	v2 =	vadd.f32 v3, v2;
	v3 =	vmul.f32 v43, v42  }
0x8d: {  	v53 =	vor.u32 $0xD, v1;
	v52 =	vld.idx.msk [tilespmem:v44+s17+$0x0], $0xffff  }
0x8e: {  	v54 =	vld.idx.msk [tilespmem:v47+s16+$0x0], $0xffff;
	v2 =	vadd.f32 v3, v2;
	v3 =	vmul.f32 v46, v45  }
0x8f: {  	v56 =	vor.u32 $0xE, v1;
	v55 =	vld.idx.msk [tilespmem:v47+s17+$0x0], $0xffff  }
0x90: {  	v57 =	vld.idx.msk [tilespmem:v50+s16+$0x0], $0xffff;
	v2 =	vadd.f32 v3, v2;
	v3 =	vmul.f32 v49, v48  }
0x91: {  	v59 =	vor.u32 $0xF, v1;
	v58 =	vld.idx.msk [tilespmem:v50+s17+$0x0], $0xffff  }
0x92: {  	v60 =	vld.idx.msk [tilespmem:v53+s16+$0x0], $0xffff;
	v2 =	vadd.f32 v3, v2;
	v3 =	vmul.f32 v52, v51  }
0x93: {  	v62 =	vor.u32 $0x10, v1;
	v61 =	vld.idx.msk [tilespmem:v53+s17+$0x0], $0xffff  }
0x94: {  	v63 =	vld.idx.msk [tilespmem:v56+s16+$0x0], $0xffff;
	v2 =	vadd.f32 v3, v2;
	v3 =	vmul.f32 v55, v54  }
0x95: {  	v17 =	vor.u32 $0x11, v1;
	v16 =	vld.idx.msk [tilespmem:v56+s17+$0x0], $0xffff  }
0x96: {  	v18 =	vld.idx.msk [tilespmem:v59+s16+$0x0], $0xffff;
	v2 =	vadd.f32 v3, v2;
	v3 =	vmul.f32 v58, v57  }
0x97: {  	v20 =	vor.u32 $0x12, v1;
	v19 =	vld.idx.msk [tilespmem:v59+s17+$0x0], $0xffff  }
0x98: {  	v21 =	vld.idx.msk [tilespmem:v62+s16+$0x0], $0xffff;
	v2 =	vadd.f32 v3, v2;
	v3 =	vmul.f32 v61, v60  }
0x99: {  	v22 =	vld.idx.msk [tilespmem:v62+s17+$0x0], $0xffff;
	v23 =	vor.u32 $0x13, v1  }
0x9a: {  	v25 =	vld.idx.msk [tilespmem:v17+s17+$0x0], $0xffff;
	v2 =	vadd.f32 v3, v2;
	v3 =	vmul.f32 v16, v63  }
0x9b: {  	v24 =	vld.idx.msk [tilespmem:v17+s16+$0x0], $0xffff;
	v26 =	vor.u32 $0x14, v1  }
0x9c: {  	v27 =	vld.idx.msk [tilespmem:v20+s16+$0x0], $0xffff;
	v2 =	vadd.f32 v3, v2;
	v3 =	vmul.f32 v19, v18  }
0x9d: {  	v29 =	vor.u32 $0x15, v1;
	v28 =	vld.idx.msk [tilespmem:v20+s17+$0x0], $0xffff  }
0x9e: {  	v30 =	vld.idx.msk [tilespmem:v23+s16+$0x0], $0xffff;
	v2 =	vadd.f32 v3, v2;
	v3 =	vmul.f32 v22, v21  }
0x9f: {  	v32 =	vor.u32 $0x16, v1;
	v31 =	vld.idx.msk [tilespmem:v23+s17+$0x0], $0xffff  }
0xa0: {  	v33 =	vld.idx.msk [tilespmem:v26+s16+$0x0], $0xffff;
	v2 =	vadd.f32 v3, v2;
	v3 =	vmul.f32 v25, v24  }
0xa1: {  	v35 =	vor.u32 $0x17, v1;
	v34 =	vld.idx.msk [tilespmem:v26+s17+$0x0], $0xffff  }
0xa2: {  	v36 =	vld.idx.msk [tilespmem:v29+s16+$0x0], $0xffff;
	v2 =	vadd.f32 v3, v2;
	v3 =	vmul.f32 v28, v27  }
0xa3: {  	v38 =	vor.u32 $0x18, v1;
	v37 =	vld.idx.msk [tilespmem:v29+s17+$0x0], $0xffff  }
0xa4: {  	v39 =	vld.idx.msk [tilespmem:v32+s16+$0x0], $0xffff;
	v2 =	vadd.f32 v3, v2;
	v3 =	vmul.f32 v31, v30  }
0xa5: {  	v41 =	vor.u32 $0x19, v1;
	v40 =	vld.idx.msk [tilespmem:v32+s17+$0x0], $0xffff  }
0xa6: {  	v42 =	vld.idx.msk [tilespmem:v35+s16+$0x0], $0xffff;
	v2 =	vadd.f32 v3, v2;
	v3 =	vmul.f32 v34, v33  }
0xa7: {  	v44 =	vor.u32 $0x1A, v1;
	v43 =	vld.idx.msk [tilespmem:v35+s17+$0x0], $0xffff  }
0xa8: {  	v45 =	vld.idx.msk [tilespmem:v38+s16+$0x0], $0xffff;
	v2 =	vadd.f32 v3, v2;
	v3 =	vmul.f32 v37, v36  }
0xa9: {  	v47 =	vor.u32 $0x1B, v1;
	v46 =	vld.idx.msk [tilespmem:v38+s17+$0x0], $0xffff  }
0xaa: {  	v48 =	vld.idx.msk [tilespmem:v41+s16+$0x0], $0xffff;
	v2 =	vadd.f32 v3, v2;
	v3 =	vmul.f32 v40, v39  }
0xab: {  	v50 =	vor.u32 $0x1C, v1;
	v49 =	vld.idx.msk [tilespmem:v41+s17+$0x0], $0xffff  }
0xac: {  	v51 =	vld.idx.msk [tilespmem:v44+s16+$0x0], $0xffff;
	v2 =	vadd.f32 v3, v2;
	v3 =	vmul.f32 v43, v42  }
0xad: {  	v53 =	vor.u32 $0x1D, v1;
	v52 =	vld.idx.msk [tilespmem:v44+s17+$0x0], $0xffff  }
0xae: {  	v54 =	vld.idx.msk [tilespmem:v47+s16+$0x0], $0xffff;
	v2 =	vadd.f32 v3, v2;
	v3 =	vmul.f32 v46, v45  }
0xaf: {  	v56 =	vor.u32 $0x1E, v1;
	v55 =	vld.idx.msk [tilespmem:v47+s17+$0x0], $0xffff  }
0xb0: {  	v57 =	vld.idx.msk [tilespmem:v50+s16+$0x0], $0xffff;
	v2 =	vadd.f32 v3, v2;
	v3 =	vmul.f32 v49, v48  }
0xb1: {  	v1 =	vor.u32 $0x1F, v1;
	v58 =	vld.idx.msk [tilespmem:v50+s17+$0x0], $0xffff  }
0xb2: {  	v59 =	vld.idx.msk [tilespmem:v53+s16+$0x0], $0xffff;
	v2 =	vadd.f32 v3, v2;
	v3 =	vmul.f32 v52, v51  }
0xb3: {  	v60 =	vld.idx.msk [tilespmem:v53+s17+$0x0], $0xffff  }
0xb4: {  	v62 =	vld.idx.msk [tilespmem:v56+s17+$0x0], $0xffff;
	v2 =	vadd.f32 v3, v2;
	v3 =	vmul.f32 v55, v54  }
0xb5: {  	v61 =	vld.idx.msk [tilespmem:v56+s16+$0x0], $0xffff  }
0xb6: {  	v63 =	vld.idx.msk [tilespmem:v1+s16+$0x0], $0xffff;
	v2 =	vadd.f32 v3, v2;
	v3 =	vmul.f32 v58, v57  }
0xb7: {  	v1 =	vld.idx.msk [tilespmem:v1+s17+$0x0], $0xffff  }
0xb8: {  	v2 =	vadd.f32 v3, v2;
	v3 =	vmul.f32 v60, v59;
	_ =	sdelay $0x1  }
0xb9: {  	v2 =	vadd.f32 v3, v2;
	v3 =	vmul.f32 v62, v61;
	_ =	sdelay $0x1  }
0xba: {  	v1 =	vmul.f32 v1, v63;
	v2 =	vadd.f32 v3, v2;
	_ =	sdelay $0x1  }
0xbb: {  	v1 =	vadd.f32 v1, v2;
	_ =	sdelay $0x1  }
0xbc: {  	v1 =	vsub.f32 $0.0e+00, v1;
	_ =	sdelay $0x1  }
0xbd: {  	v1 =	vmul.f32 $1.442695020e+00, v1;
	_ =	sdelay $0x1  }
0xbe: {  	(erf) = vpow2.f32 v1;
	_ =	sdelay $0x8  }
0xbf: {  	v1 =	vpop (erf)  }
0xc0: {  	v1 =	vadd.f32 $1.000000000e+00, v1;
	_ =	sdelay $0x1  }
0xc1: {  	(erf) = vrcp.f32 v1;
	_ =	sdelay $0x2  }
0xc2: {  	s31 =	simm.s32 $0x20  }
0xc3: {  	v2 =	vmov s31  }
0xc4: {  	s23 =	simm.s32 $0x30;
	v1 =	vshll.u32 v2, $0x5  }
.LBB2_3:
0xc5: {  	p0 =	sne.s32 s23, $0x70;
	v1 =	vor.u32 v0, v1;
	_ =	sdelay $0x1  }
0xc6: {  	v2 =	vor.u32 $0x1, v1  }
0xc7: {  	s22 =	sadd.s32 $0x10, s22;
	v3 =	vpop (erf)  }
0xc8: {  	v4 =	vor.u32 $0x2, v1;
	[tilespmem:s22+$0x0] =	vst v3  }
0xc9: {  	v3 =	vld.idx.msk [tilespmem:v1+s17+$0x0], $0xffff  }
0xca: {  	v6 =	vor.u32 $0x3, v1;
	v5 =	vld.idx.msk [tilespmem:v1+s16+$0x0], $0xffff  }
0xcb: {  	v7 =	vld.idx.msk [tilespmem:v2+s16+$0x0], $0xffff  }
0xcc: {  	v8 =	vor.u32 $0x4, v1;
	v2 =	vld.idx.msk [tilespmem:v2+s17+$0x0], $0xffff  }
0xcd: {  	v9 =	vld.idx.msk [tilespmem:v4+s16+$0x0], $0xffff  }
0xce: {  	v10 =	vor.u32 $0x5, v1;
	v4 =	vld.idx.msk [tilespmem:v4+s17+$0x0], $0xffff  }
0xcf: {  	v11 =	vld.idx.msk [tilespmem:v6+s16+$0x0], $0xffff  }
0xd0: {  	v3 =	vmul.f32 v3, v5;
	v5 =	vld.idx.msk [tilespmem:v6+s17+$0x0], $0xffff;
	v6 =	vor.u32 $0x6, v1  }
0xd1: {  	v12 =	vld.idx.msk [tilespmem:v8+s16+$0x0], $0xffff  }
0xd2: {  	v3 =	vadd.f32 $0.0e+00, v3;
	v2 =	vmul.f32 v2, v7;
	v7 =	vld.idx.msk [tilespmem:v8+s17+$0x0], $0xffff;
	v8 =	vor.u32 $0x7, v1  }
0xd3: {  	v13 =	vld.idx.msk [tilespmem:v10+s16+$0x0], $0xffff  }
0xd4: {  	v2 =	vadd.f32 v2, v3;
	v3 =	vmul.f32 v4, v9;
	v9 =	vor.u32 $0x8, v1;
	v4 =	vld.idx.msk [tilespmem:v10+s17+$0x0], $0xffff  }
0xd5: {  	v10 =	vld.idx.msk [tilespmem:v6+s16+$0x0], $0xffff  }
0xd6: {  	v2 =	vadd.f32 v3, v2;
	v3 =	vmul.f32 v5, v11;
	v5 =	vld.idx.msk [tilespmem:v6+s17+$0x0], $0xffff;
	v6 =	vor.u32 $0x9, v1  }
0xd7: {  	v11 =	vld.idx.msk [tilespmem:v8+s16+$0x0], $0xffff  }
0xd8: {  	v2 =	vadd.f32 v3, v2;
	v3 =	vmul.f32 v7, v12;
	v7 =	vld.idx.msk [tilespmem:v8+s17+$0x0], $0xffff;
	v8 =	vor.u32 $0xA, v1  }
0xd9: {  	v12 =	vld.idx.msk [tilespmem:v9+s16+$0x0], $0xffff  }
0xda: {  	v2 =	vadd.f32 v3, v2;
	v3 =	vmul.f32 v4, v13;
	v4 =	vld.idx.msk [tilespmem:v9+s17+$0x0], $0xffff;
	v9 =	vor.u32 $0xB, v1  }
0xdb: {  	v13 =	vld.idx.msk [tilespmem:v6+s16+$0x0], $0xffff  }
0xdc: {  	v2 =	vadd.f32 v3, v2;
	v3 =	vmul.f32 v5, v10;
	v5 =	vld.idx.msk [tilespmem:v6+s17+$0x0], $0xffff;
	v6 =	vor.u32 $0xC, v1  }
0xdd: {  	v10 =	vld.idx.msk [tilespmem:v8+s16+$0x0], $0xffff  }
0xde: {  	v2 =	vadd.f32 v3, v2;
	v3 =	vmul.f32 v7, v11;
	v7 =	vld.idx.msk [tilespmem:v8+s17+$0x0], $0xffff;
	v8 =	vor.u32 $0xD, v1  }
0xdf: {  	v11 =	vld.idx.msk [tilespmem:v9+s16+$0x0], $0xffff  }
0xe0: {  	v2 =	vadd.f32 v3, v2;
	v3 =	vmul.f32 v4, v12;
	v4 =	vld.idx.msk [tilespmem:v9+s17+$0x0], $0xffff;
	v9 =	vor.u32 $0xE, v1  }
0xe1: {  	v12 =	vld.idx.msk [tilespmem:v6+s16+$0x0], $0xffff  }
0xe2: {  	v2 =	vadd.f32 v3, v2;
	v3 =	vmul.f32 v5, v13;
	v5 =	vld.idx.msk [tilespmem:v6+s17+$0x0], $0xffff;
	v6 =	vor.u32 $0xF, v1  }
0xe3: {  	v13 =	vld.idx.msk [tilespmem:v8+s16+$0x0], $0xffff  }
0xe4: {  	v2 =	vadd.f32 v3, v2;
	v3 =	vmul.f32 v7, v10;
	v7 =	vld.idx.msk [tilespmem:v8+s17+$0x0], $0xffff;
	v8 =	vor.u32 $0x10, v1  }
0xe5: {  	v10 =	vld.idx.msk [tilespmem:v9+s16+$0x0], $0xffff  }
0xe6: {  	v2 =	vadd.f32 v3, v2;
	v3 =	vmul.f32 v4, v11;
	v4 =	vld.idx.msk [tilespmem:v9+s17+$0x0], $0xffff;
	v9 =	vor.u32 $0x11, v1  }
0xe7: {  	v11 =	vld.idx.msk [tilespmem:v6+s16+$0x0], $0xffff  }
0xe8: {  	v2 =	vadd.f32 v3, v2;
	v3 =	vmul.f32 v5, v12;
	v5 =	vld.idx.msk [tilespmem:v6+s17+$0x0], $0xffff;
	v6 =	vor.u32 $0x12, v1  }
0xe9: {  	v12 =	vld.idx.msk [tilespmem:v8+s16+$0x0], $0xffff  }
0xea: {  	v2 =	vadd.f32 v3, v2;
	v3 =	vmul.f32 v7, v13;
	v7 =	vld.idx.msk [tilespmem:v8+s17+$0x0], $0xffff;
	v8 =	vor.u32 $0x13, v1  }
0xeb: {  	v13 =	vld.idx.msk [tilespmem:v9+s16+$0x0], $0xffff  }
0xec: {  	v2 =	vadd.f32 v3, v2;
	v3 =	vmul.f32 v4, v10;
	v4 =	vld.idx.msk [tilespmem:v9+s17+$0x0], $0xffff;
	v9 =	vor.u32 $0x14, v1  }
0xed: {  	v10 =	vld.idx.msk [tilespmem:v6+s16+$0x0], $0xffff  }
0xee: {  	v2 =	vadd.f32 v3, v2;
	v3 =	vmul.f32 v5, v11;
	v5 =	vld.idx.msk [tilespmem:v6+s17+$0x0], $0xffff;
	v6 =	vor.u32 $0x15, v1  }
0xef: {  	v11 =	vld.idx.msk [tilespmem:v8+s16+$0x0], $0xffff  }
0xf0: {  	v2 =	vadd.f32 v3, v2;
	v3 =	vmul.f32 v7, v12;
	v7 =	vld.idx.msk [tilespmem:v8+s17+$0x0], $0xffff;
	v8 =	vor.u32 $0x16, v1  }
0xf1: {  	v12 =	vld.idx.msk [tilespmem:v9+s16+$0x0], $0xffff  }
0xf2: {  	v2 =	vadd.f32 v3, v2;
	v3 =	vmul.f32 v4, v13;
	v4 =	vld.idx.msk [tilespmem:v9+s17+$0x0], $0xffff;
	v9 =	vor.u32 $0x17, v1  }
0xf3: {  	v13 =	vld.idx.msk [tilespmem:v6+s16+$0x0], $0xffff  }
0xf4: {  	v2 =	vadd.f32 v3, v2;
	v3 =	vmul.f32 v5, v10;
	v5 =	vld.idx.msk [tilespmem:v6+s17+$0x0], $0xffff;
	v6 =	vor.u32 $0x18, v1  }
0xf5: {  	v10 =	vld.idx.msk [tilespmem:v8+s16+$0x0], $0xffff  }
0xf6: {  	v2 =	vadd.f32 v3, v2;
	v3 =	vmul.f32 v7, v11;
	v7 =	vld.idx.msk [tilespmem:v8+s17+$0x0], $0xffff;
	v8 =	vor.u32 $0x19, v1  }
0xf7: {  	v11 =	vld.idx.msk [tilespmem:v9+s16+$0x0], $0xffff  }
0xf8: {  	v2 =	vadd.f32 v3, v2;
	v3 =	vmul.f32 v4, v12;
	v4 =	vld.idx.msk [tilespmem:v9+s17+$0x0], $0xffff;
	v9 =	vor.u32 $0x1A, v1  }
0xf9: {  	v12 =	vld.idx.msk [tilespmem:v6+s16+$0x0], $0xffff  }
0xfa: {  	v2 =	vadd.f32 v3, v2;
	v3 =	vmul.f32 v5, v13;
	v5 =	vld.idx.msk [tilespmem:v6+s17+$0x0], $0xffff;
	v6 =	vor.u32 $0x1B, v1  }
0xfb: {  	v13 =	vld.idx.msk [tilespmem:v8+s16+$0x0], $0xffff  }
0xfc: {  	v2 =	vadd.f32 v3, v2;
	v3 =	vmul.f32 v7, v10;
	v7 =	vld.idx.msk [tilespmem:v8+s17+$0x0], $0xffff;
	v8 =	vor.u32 $0x1C, v1  }
0xfd: {  	v10 =	vld.idx.msk [tilespmem:v9+s16+$0x0], $0xffff  }
0xfe: {  	v2 =	vadd.f32 v3, v2;
	v3 =	vmul.f32 v4, v11;
	v4 =	vld.idx.msk [tilespmem:v9+s17+$0x0], $0xffff;
	v9 =	vor.u32 $0x1D, v1  }
0xff: {  	v11 =	vld.idx.msk [tilespmem:v6+s16+$0x0], $0xffff  }
0x100: {  	v2 =	vadd.f32 v3, v2;
	v3 =	vmul.f32 v5, v12;
	v5 =	vld.idx.msk [tilespmem:v6+s17+$0x0], $0xffff;
	v6 =	vor.u32 $0x1E, v1  }
0x101: {  	v12 =	vld.idx.msk [tilespmem:v8+s16+$0x0], $0xffff  }
0x102: {  	v1 =	vor.u32 $0x1F, v1;
	v2 =	vadd.f32 v3, v2;
	v3 =	vmul.f32 v7, v13;
	v7 =	vld.idx.msk [tilespmem:v8+s17+$0x0], $0xffff  }
0x103: {  	v8 =	vld.idx.msk [tilespmem:v9+s16+$0x0], $0xffff  }
0x104: {  	v2 =	vadd.f32 v3, v2;
	v3 =	vmul.f32 v4, v10;
	v4 =	vld.idx.msk [tilespmem:v9+s17+$0x0], $0xffff  }
0x105: {  	v9 =	vld.idx.msk [tilespmem:v6+s16+$0x0], $0xffff  }
0x106: {  	v2 =	vadd.f32 v3, v2;
	v3 =	vmul.f32 v5, v11;
	v5 =	vld.idx.msk [tilespmem:v6+s17+$0x0], $0xffff  }
0x107: {  	v6 =	vld.idx.msk [tilespmem:v1+s16+$0x0], $0xffff  }
0x108: {  	v2 =	vadd.f32 v3, v2;
	v3 =	vmul.f32 v7, v12;
	v1 =	vld.idx.msk [tilespmem:v1+s17+$0x0], $0xffff;
	_ =	sdelay $0x1  }
0x109: {  	v2 =	vadd.f32 v3, v2;
	v3 =	vmul.f32 v4, v8;
	_ =	sdelay $0x1  }
0x10a: {  	v2 =	vadd.f32 v3, v2;
	v3 =	vmul.f32 v5, v9;
	_ =	sdelay $0x1  }
0x10b: {  	v2 =	vadd.f32 v3, v2;
	v1 =	vmul.f32 v1, v6;
	_ =	sdelay $0x1  }
0x10c: {  	v1 =	vadd.f32 v1, v2;
	_ =	sdelay $0x1  }
0x10d: {  	v1 =	vsub.f32 $0.0e+00, v1;
	_ =	sdelay $0x1  }
0x10e: {  	v1 =	vmul.f32 $1.442695020e+00, v1;
	_ =	sdelay $0x1  }
0x10f: {  	(erf) = vpow2.f32 v1;
	_ =	sdelay $0x8  }
0x110: {  	v1 =	vpop (erf)  }
0x111: {  	v1 =	vadd.f32 $1.000000000e+00, v1;
	_ =	sdelay $0x1  }
0x112: {  	(erf) = vrcp.f32 v1  }
.Ltmp0:
0x113: {  	(pc) =	sbr.rel @p0 .LBB2_3-.Ltmp0, $3  }
0x114: {  	_ =	sdelay $0x1  }
0x115: {  	v1 =	vmov s23  }
0x116: {  	s23 =	sadd.s32 $0x10, s23;
	v1 =	vshll.u32 v1, $0x5  }
0x117: {  	v1 =	vor.u32 v0, v1;
	_ =	sdelay $0x1  }
0x118: {  	v2 =	vor.u32 $0x1, v1  }
0x119: {  	s22 =	sadd.s32 $0x10, s22;
	v3 =	vpop (erf)  }
0x11a: {  	v4 =	vor.u32 $0x2, v1;
	[tilespmem:s22+$0x0] =	vst v3  }
0x11b: {  	v3 =	vld.idx.msk [tilespmem:v1+s17+$0x0], $0xffff  }
0x11c: {  	v6 =	vor.u32 $0x3, v1;
	v5 =	vld.idx.msk [tilespmem:v1+s16+$0x0], $0xffff  }
0x11d: {  	v7 =	vld.idx.msk [tilespmem:v2+s16+$0x0], $0xffff  }
0x11e: {  	v8 =	vor.u32 $0x4, v1;
	v2 =	vld.idx.msk [tilespmem:v2+s17+$0x0], $0xffff  }
0x11f: {  	v9 =	vld.idx.msk [tilespmem:v4+s16+$0x0], $0xffff  }
0x120: {  	v10 =	vor.u32 $0x5, v1;
	v4 =	vld.idx.msk [tilespmem:v4+s17+$0x0], $0xffff  }
0x121: {  	v11 =	vld.idx.msk [tilespmem:v6+s16+$0x0], $0xffff;
	v3 =	vmul.f32 v3, v5  }
0x122: {  	v34 =	vor.u32 $0x6, v1;
	v33 =	vld.idx.msk [tilespmem:v6+s17+$0x0], $0xffff  }
0x123: {  	v12 =	vld.idx.msk [tilespmem:v8+s16+$0x0], $0xffff;
	v2 =	vmul.f32 v2, v7;
	v3 =	vadd.f32 $0.0e+00, v3  }
0x124: {  	v36 =	vor.u32 $0x7, v1;
	v35 =	vld.idx.msk [tilespmem:v8+s17+$0x0], $0xffff  }
0x125: {  	v13 =	vld.idx.msk [tilespmem:v10+s16+$0x0], $0xffff;
	v2 =	vadd.f32 v2, v3;
	v3 =	vmul.f32 v4, v9  }
0x126: {  	v38 =	vor.u32 $0x8, v1;
	v37 =	vld.idx.msk [tilespmem:v10+s17+$0x0], $0xffff  }
0x127: {  	v39 =	vld.idx.msk [tilespmem:v34+s16+$0x0], $0xffff;
	v2 =	vadd.f32 v3, v2;
	v3 =	vmul.f32 v33, v11  }
0x128: {  	v41 =	vor.u32 $0x9, v1;
	v40 =	vld.idx.msk [tilespmem:v34+s17+$0x0], $0xffff  }
0x129: {  	v42 =	vld.idx.msk [tilespmem:v36+s16+$0x0], $0xffff;
	v2 =	vadd.f32 v3, v2;
	v3 =	vmul.f32 v35, v12  }
0x12a: {  	v44 =	vor.u32 $0xA, v1;
	v43 =	vld.idx.msk [tilespmem:v36+s17+$0x0], $0xffff  }
0x12b: {  	v45 =	vld.idx.msk [tilespmem:v38+s16+$0x0], $0xffff;
	v2 =	vadd.f32 v3, v2;
	v3 =	vmul.f32 v37, v13  }
0x12c: {  	v47 =	vor.u32 $0xB, v1;
	v46 =	vld.idx.msk [tilespmem:v38+s17+$0x0], $0xffff  }
0x12d: {  	v48 =	vld.idx.msk [tilespmem:v41+s16+$0x0], $0xffff;
	v2 =	vadd.f32 v3, v2;
	v3 =	vmul.f32 v40, v39  }
0x12e: {  	v50 =	vor.u32 $0xC, v1;
	v49 =	vld.idx.msk [tilespmem:v41+s17+$0x0], $0xffff  }
0x12f: {  	v51 =	vld.idx.msk [tilespmem:v44+s16+$0x0], $0xffff;
	v2 =	vadd.f32 v3, v2;
	v3 =	vmul.f32 v43, v42  }
0x130: {  	v53 =	vor.u32 $0xD, v1;
	v52 =	vld.idx.msk [tilespmem:v44+s17+$0x0], $0xffff  }
0x131: {  	v54 =	vld.idx.msk [tilespmem:v47+s16+$0x0], $0xffff;
	v2 =	vadd.f32 v3, v2;
	v3 =	vmul.f32 v46, v45  }
0x132: {  	v56 =	vor.u32 $0xE, v1;
	v55 =	vld.idx.msk [tilespmem:v47+s17+$0x0], $0xffff  }
0x133: {  	v57 =	vld.idx.msk [tilespmem:v50+s16+$0x0], $0xffff;
	v2 =	vadd.f32 v3, v2;
	v3 =	vmul.f32 v49, v48  }
0x134: {  	v59 =	vor.u32 $0xF, v1;
	v58 =	vld.idx.msk [tilespmem:v50+s17+$0x0], $0xffff  }
0x135: {  	v60 =	vld.idx.msk [tilespmem:v53+s16+$0x0], $0xffff;
	v2 =	vadd.f32 v3, v2;
	v3 =	vmul.f32 v52, v51  }
0x136: {  	v62 =	vor.u32 $0x10, v1;
	v61 =	vld.idx.msk [tilespmem:v53+s17+$0x0], $0xffff  }
0x137: {  	v63 =	vld.idx.msk [tilespmem:v56+s16+$0x0], $0xffff;
	v2 =	vadd.f32 v3, v2;
	v3 =	vmul.f32 v55, v54  }
0x138: {  	v17 =	vor.u32 $0x11, v1;
	v16 =	vld.idx.msk [tilespmem:v56+s17+$0x0], $0xffff  }
0x139: {  	v18 =	vld.idx.msk [tilespmem:v59+s16+$0x0], $0xffff;
	v2 =	vadd.f32 v3, v2;
	v3 =	vmul.f32 v58, v57  }
0x13a: {  	v20 =	vor.u32 $0x12, v1;
	v19 =	vld.idx.msk [tilespmem:v59+s17+$0x0], $0xffff  }
0x13b: {  	v21 =	vld.idx.msk [tilespmem:v62+s16+$0x0], $0xffff;
	v2 =	vadd.f32 v3, v2;
	v3 =	vmul.f32 v61, v60  }
0x13c: {  	v23 =	vor.u32 $0x13, v1;
	v22 =	vld.idx.msk [tilespmem:v62+s17+$0x0], $0xffff  }
0x13d: {  	v24 =	vld.idx.msk [tilespmem:v17+s16+$0x0], $0xffff;
	v2 =	vadd.f32 v3, v2;
	v3 =	vmul.f32 v16, v63  }
0x13e: {  	v26 =	vor.u32 $0x14, v1;
	v25 =	vld.idx.msk [tilespmem:v17+s17+$0x0], $0xffff  }
0x13f: {  	v27 =	vld.idx.msk [tilespmem:v20+s16+$0x0], $0xffff;
	v2 =	vadd.f32 v3, v2;
	v3 =	vmul.f32 v19, v18  }
0x140: {  	v29 =	vor.u32 $0x15, v1;
	v28 =	vld.idx.msk [tilespmem:v20+s17+$0x0], $0xffff  }
0x141: {  	v30 =	vld.idx.msk [tilespmem:v23+s16+$0x0], $0xffff;
	v2 =	vadd.f32 v3, v2;
	v3 =	vmul.f32 v22, v21  }
0x142: {  	v32 =	vor.u32 $0x16, v1;
	v31 =	vld.idx.msk [tilespmem:v23+s17+$0x0], $0xffff  }
0x143: {  	v34 =	vld.idx.msk [tilespmem:v26+s17+$0x0], $0xffff;
	v2 =	vadd.f32 v3, v2;
	v3 =	vmul.f32 v25, v24  }
0x144: {  	v33 =	vld.idx.msk [tilespmem:v26+s16+$0x0], $0xffff;
	v35 =	vor.u32 $0x17, v1  }
0x145: {  	v36 =	vld.idx.msk [tilespmem:v29+s16+$0x0], $0xffff;
	v2 =	vadd.f32 v3, v2;
	v3 =	vmul.f32 v28, v27  }
0x146: {  	v38 =	vor.u32 $0x18, v1;
	v37 =	vld.idx.msk [tilespmem:v29+s17+$0x0], $0xffff  }
0x147: {  	v39 =	vld.idx.msk [tilespmem:v32+s16+$0x0], $0xffff;
	v2 =	vadd.f32 v3, v2;
	v3 =	vmul.f32 v31, v30  }
0x148: {  	v41 =	vor.u32 $0x19, v1;
	v40 =	vld.idx.msk [tilespmem:v32+s17+$0x0], $0xffff  }
0x149: {  	v42 =	vld.idx.msk [tilespmem:v35+s16+$0x0], $0xffff;
	v2 =	vadd.f32 v3, v2;
	v3 =	vmul.f32 v34, v33  }
0x14a: {  	v44 =	vor.u32 $0x1A, v1;
	v43 =	vld.idx.msk [tilespmem:v35+s17+$0x0], $0xffff  }
0x14b: {  	v45 =	vld.idx.msk [tilespmem:v38+s16+$0x0], $0xffff;
	v2 =	vadd.f32 v3, v2;
	v3 =	vmul.f32 v37, v36  }
0x14c: {  	v47 =	vor.u32 $0x1B, v1;
	v46 =	vld.idx.msk [tilespmem:v38+s17+$0x0], $0xffff  }
0x14d: {  	v48 =	vld.idx.msk [tilespmem:v41+s16+$0x0], $0xffff;
	v2 =	vadd.f32 v3, v2;
	v3 =	vmul.f32 v40, v39  }
0x14e: {  	v50 =	vor.u32 $0x1C, v1;
	v49 =	vld.idx.msk [tilespmem:v41+s17+$0x0], $0xffff  }
0x14f: {  	v51 =	vld.idx.msk [tilespmem:v44+s16+$0x0], $0xffff;
	v2 =	vadd.f32 v3, v2;
	v3 =	vmul.f32 v43, v42  }
0x150: {  	v53 =	vor.u32 $0x1D, v1;
	v52 =	vld.idx.msk [tilespmem:v44+s17+$0x0], $0xffff  }
0x151: {  	v54 =	vld.idx.msk [tilespmem:v47+s16+$0x0], $0xffff;
	v2 =	vadd.f32 v3, v2;
	v3 =	vmul.f32 v46, v45  }
0x152: {  	v56 =	vor.u32 $0x1E, v1;
	v55 =	vld.idx.msk [tilespmem:v47+s17+$0x0], $0xffff  }
0x153: {  	v57 =	vld.idx.msk [tilespmem:v50+s16+$0x0], $0xffff;
	v2 =	vadd.f32 v3, v2;
	v3 =	vmul.f32 v49, v48  }
0x154: {  	v1 =	vor.u32 $0x1F, v1;
	v58 =	vld.idx.msk [tilespmem:v50+s17+$0x0], $0xffff  }
0x155: {  	v59 =	vld.idx.msk [tilespmem:v53+s16+$0x0], $0xffff;
	v2 =	vadd.f32 v3, v2;
	v3 =	vmul.f32 v52, v51  }
0x156: {  	v60 =	vld.idx.msk [tilespmem:v53+s17+$0x0], $0xffff  }
0x157: {  	v62 =	vld.idx.msk [tilespmem:v56+s17+$0x0], $0xffff;
	v2 =	vadd.f32 v3, v2;
	v3 =	vmul.f32 v55, v54  }
0x158: {  	v61 =	vld.idx.msk [tilespmem:v56+s16+$0x0], $0xffff  }
0x159: {  	v63 =	vld.idx.msk [tilespmem:v1+s16+$0x0], $0xffff;
	v2 =	vadd.f32 v3, v2;
	v3 =	vmul.f32 v58, v57  }
0x15a: {  	v1 =	vld.idx.msk [tilespmem:v1+s17+$0x0], $0xffff  }
0x15b: {  	v2 =	vadd.f32 v3, v2;
	v3 =	vmul.f32 v60, v59;
	_ =	sdelay $0x1  }
0x15c: {  	v2 =	vadd.f32 v3, v2;
	v3 =	vmul.f32 v62, v61;
	_ =	sdelay $0x1  }
0x15d: {  	v1 =	vmul.f32 v1, v63;
	v2 =	vadd.f32 v3, v2;
	_ =	sdelay $0x1  }
0x15e: {  	v1 =	vadd.f32 v1, v2;
	_ =	sdelay $0x1  }
0x15f: {  	v1 =	vsub.f32 $0.0e+00, v1;
	_ =	sdelay $0x1  }
0x160: {  	v1 =	vmul.f32 $1.442695020e+00, v1;
	_ =	sdelay $0x1  }
0x161: {  	(erf) = vpow2.f32 v1;
	_ =	sdelay $0x8  }
0x162: {  	v1 =	vpop (erf)  }
0x163: {  	v1 =	vadd.f32 $1.000000000e+00, v1;
	_ =	sdelay $0x1  }
0x164: {  	(erf) = vrcp.f32 v1;
	_ =	sdelay $0x7  }
0x165: {  	s20 =	sadd.s32 $0x1, s20  }
0x166: {  	p0 =	sne.s32 s20, $0xC4;
	s22 =	sadd.s32 $0x10, s22;
	v1 =	vpop (erf)  }
.Ltmp1:
0x167: {  	s21 =	sadd.s32 s8, s21;
	[tilespmem:s22+$0x0] =	vst v1;
	(pc) =	sbr.rel @p0 .LBB2_2-.Ltmp1, $4  }
0x168: {  	[hbm4b:s21+s1] =	stream.linear.scatter [tilespmem:s18], [sflag:$0x3], $0x80, $0x38;
	[tilespmem:$0x2200] =	vst v63  }
0x169: {  	_ =	swait.ge [sflag:s11], $0x80  }
0x16a: {  	[sflag:s11] =	ssyncset.done $0x0  }
0x16b: {  	[sflag:s11] =	ssyncadd.s32 $0xFFFFFF80  }
0x16c: {  	s19 =	sadd.s32 $0x1, s19  }
0x16d: {  	p0 =	sne.s32 s19, s10  }
.Ltmp2:
0x16e: {  	_ = 	snop;
	(pc) =	sbr.rel @p0 .LBB2_1-.Ltmp2, $1  }
0x16f: {  	_ =	sdelay $0x3  }
0x170: {  	_ =	sfence.sel $0x180000  }
0x171: {  	[bflag:$0x0] =	sbarrier.arrive $0xFFFF  }
0x172: {  	p0 =	sne.s32 s2, $0x0;
	_ =	strace $0x90000047  }
0x173: {  	s0 =	sadd.s32 @!p0 $0x100000, s0;
	[bflag:$0x2] =	sbarrier.arrive $0xFFFF  }
0x174: {  	[sflag:s0] =	ssyncadd.tile.s32 @!p0 $0x1;
	_ =	shalt  }
.Lfunc_end2:
_tile_overlayer_lowered:
.L_overlay_start_2:
0x175: {  	(tag) =	ssettag $0x2  }
0x176: {  	s0 =	rddreg [dreg:$0x0];
	s2 =	stileid.u32  }
0x177: {  	s1 =	rddreg [dreg:$0x1];
	p0 =	sne.s32 s2, $0x0  }
0x178: {  	s3 =	rddreg [dreg:$0x2];
	[bflag:$0x3] =	sbarrier.arrive $0xFFFF;
	s2 =	simm.s32 @!p0 $0x1C03  }
0x179: {  	[timem:s3], [sflag:s2] =	dma.local @!p0 [hbm:s0], s1  }
0x17a: {  	s0 =	simm.s32 @!p0 $0x3  }
0x17b: {  	_ =	swait.ge @!p0 [sflag:s0], s1  }
0x17c: {  	s1 =	ssub.s32 @!p0 $0x0, s1;
	[sflag:s0] =	ssyncset.done @!p0 $0x0  }
0x17d: {  	[sflag:s0] =	ssyncadd.s32 @!p0 s1  }
0x17e: {  	[bflag:$0x3] =	sbarrier.arrive $0xFFFF  }
0x17f: {  	_ =	shalt  }

</sc_bundles>
